<compile_context>
chip_gen: v7x
topology: tpu7x:2x2x1
jax: 0.10.2.dev20260603
libtpu: 0.0.44.dev20260713+nightly
codegen_flags: <defaults>
</compile_context>

<pallas_src>
import functools

import jax
import jax.numpy as jnp
from jax import lax
from jax.experimental import pallas as pl
from jax.experimental.pallas import tpu as pltpu
from jax.experimental.pallas import tpu_sc as plsc

N = 10000
E = 320000
D = 128
NEG = 0.01

NC = 2
NS = 16
K = 128
CPT = 80
EPAD = NC * NS * CPT * K
NPAD = 10240
RPT = NPAD // NS
_mesh = plsc.VectorSubcoreMesh(core_axis_name="c", subcore_axis_name="s")


@functools.partial(
    pl.kernel,
    out_type=jax.ShapeDtypeStruct((NC, NPAD), jnp.float32),
    mesh=_mesh,
    scratch_types=[
        pltpu.VMEM_SHARED((NPAD,), jnp.float32),
        pltpu.VMEM((CPT, K), jnp.int32),
        pltpu.VMEM((K,), jnp.float32),
        pltpu.VMEM((RPT,), jnp.float32),
    ],
)
def _deg_call(dst_hbm, out_hbm, dsh, didx, ones, zbuf):
    c = lax.axis_index("c")
    s = lax.axis_index("s")
    wid = c * NS + s

    def fill_ones(i, _):
        ones[pl.ds(i * 16, 16)] = jnp.full((16,), 1.0, jnp.float32)
        return 0

    lax.fori_loop(0, K // 16, fill_ones, 0)

    def fill_z(i, _):
        zbuf[pl.ds(i * 16, 16)] = jnp.zeros((16,), jnp.float32)
        return 0

    lax.fori_loop(0, RPT // 16, fill_z, 0)

    base = s * RPT
    pltpu.sync_copy(zbuf, dsh.at[pl.ds(base, RPT)])
    plsc.subcore_barrier()

    pltpu.sync_copy(dst_hbm.at[pl.ds(wid * CPT, CPT)], didx)

    def chunk(j, _):
        pltpu.sync_copy(ones, dsh.at[didx.at[j]], add=True)
        return 0

    lax.fori_loop(0, CPT, chunk, 0)
    plsc.subcore_barrier()
    pltpu.sync_copy(dsh.at[pl.ds(base, RPT)], out_hbm.at[c, pl.ds(base, RPT)])


STG0 = 3
STG1 = 1
CLOC = 40


@functools.partial(
    pl.kernel,
    out_type=jax.ShapeDtypeStruct((NC, NPAD, D), jnp.float32),
    mesh=_mesh,
    scratch_types=[
        pltpu.VMEM_SHARED((NPAD, D), jnp.float32),
        pltpu.VMEM((CLOC, K), jnp.int32),
        pltpu.VMEM((CLOC, K), jnp.int32),
        pltpu.VMEM((K, D), jnp.float32),
        pltpu.VMEM((K, D), jnp.float32),
        pltpu.SemaphoreType.DMA,
        pltpu.SemaphoreType.DMA,
    ],
)
def _scat_call(y_hbm, src_hbm, dst_hbm, out_hbm, zsh, sidx, didx, g0, g1, sem0, sem1):
    c = lax.axis_index("c")
    s = lax.axis_index("s")
    wid = c * NS + s

    def fill_z(i, _):
        def fill_col(j, _):
            g0[i, pl.ds(j * 16, 16)] = jnp.zeros((16,), jnp.float32)
            return 0

        return lax.fori_loop(0, D // 16, fill_col, 0)

    lax.fori_loop(0, K, fill_z, 0)

    base = s * RPT
    for t in range(RPT // K):
        pltpu.sync_copy(g0, zsh.at[pl.ds(base + t * K, K)])
    plsc.subcore_barrier()

    nst = jnp.where(c == 0, STG0, STG1)
    base0 = jnp.where(c == 0, s * (STG0 * CLOC), NS * (STG0 * CLOC) + s * (STG1 * CLOC))

    def stage(st, _):
        row0 = base0 + st * CLOC
        pltpu.sync_copy(src_hbm.at[pl.ds(row0, CLOC)], sidx)
        pltpu.sync_copy(dst_hbm.at[pl.ds(row0, CLOC)], didx)

        pltpu.async_copy(y_hbm.at[sidx.at[0]], g0, sem0)

        def pair(i, _):
            a = 2 * i
            pltpu.async_copy(y_hbm.at[sidx.at[a + 1]], g1, sem1)
            pltpu.make_async_copy(y_hbm.at[sidx.at[a]], g0, sem0).wait()
            pltpu.sync_copy(g0, zsh.at[didx.at[a]], add=True)
            pltpu.async_copy(y_hbm.at[sidx.at[a + 2]], g0, sem0)
            pltpu.make_async_copy(y_hbm.at[sidx.at[a + 1]], g1, sem1).wait()
            pltpu.sync_copy(g1, zsh.at[didx.at[a + 1]], add=True)
            return 0

        lax.fori_loop(0, CLOC // 2 - 1, pair, 0)
        a = CLOC - 2
        pltpu.async_copy(y_hbm.at[sidx.at[CLOC - 1]], g1, sem1)
        pltpu.make_async_copy(y_hbm.at[sidx.at[a]], g0, sem0).wait()
        pltpu.sync_copy(g0, zsh.at[didx.at[a]], add=True)
        pltpu.make_async_copy(y_hbm.at[sidx.at[CLOC - 1]], g1, sem1).wait()
        pltpu.sync_copy(g1, zsh.at[didx.at[CLOC - 1]], add=True)
        return 0

    lax.fori_loop(0, nst, stage, 0)
    plsc.subcore_barrier()
    pltpu.sync_copy(zsh.at[pl.ds(base, RPT)], out_hbm.at[c, pl.ds(base, RPT)])


_R = 2000


def _tc1(x, w1, dega, degb):
    def body(x_ref, w_ref, da_ref, db_ref, y_ref, dinv_ref):
        d = lax.rsqrt(da_ref[...] + db_ref[...] + 1.0)
        y_ref[...] = jnp.dot(x_ref[...], w_ref[...], preferred_element_type=jnp.float32) * d
        dinv_ref[...] = d

    return pl.pallas_call(
        body,
        grid=(N // _R,),
        in_specs=[
            pl.BlockSpec((_R, D), lambda i: (i, 0)),
            pl.BlockSpec((D, D), lambda i: (0, 0)),
            pl.BlockSpec((_R, 1), lambda i: (i, 0)),
            pl.BlockSpec((_R, 1), lambda i: (i, 0)),
        ],
        out_specs=[
            pl.BlockSpec((_R, D), lambda i: (i, 0)),
            pl.BlockSpec((_R, 1), lambda i: (i, 0)),
        ],
        out_shape=[
            jax.ShapeDtypeStruct((N, D), jnp.float32),
            jax.ShapeDtypeStruct((N, 1), jnp.float32),
        ],
    )(x, w1, dega, degb)


def _tc2(z0, z1, y1, dinv, b1, w2):
    def body(z0_ref, z1_ref, y_ref, d_ref, b_ref, w_ref, o_ref):
        t = (z0_ref[...] + z1_ref[...] + y_ref[...]) * d_ref[...] + b_ref[...]
        h = jnp.where(t >= 0, t, NEG * t)
        o_ref[...] = jnp.dot(h, w_ref[...], preferred_element_type=jnp.float32) * d_ref[...]

    return pl.pallas_call(
        body,
        grid=(N // _R,),
        in_specs=[
            pl.BlockSpec((_R, D), lambda i: (i, 0)),
            pl.BlockSpec((_R, D), lambda i: (i, 0)),
            pl.BlockSpec((_R, D), lambda i: (i, 0)),
            pl.BlockSpec((_R, 1), lambda i: (i, 0)),
            pl.BlockSpec((1, D), lambda i: (0, 0)),
            pl.BlockSpec((D, D), lambda i: (0, 0)),
        ],
        out_specs=pl.BlockSpec((_R, D), lambda i: (i, 0)),
        out_shape=jax.ShapeDtypeStruct((N, D), jnp.float32),
    )(z0, z1, y1, dinv, b1, w2)


def _tc3(z0, z1, y2, dinv, b2):
    def body(z0_ref, z1_ref, y_ref, d_ref, b_ref, o_ref):
        t = (z0_ref[...] + z1_ref[...] + y_ref[...]) * d_ref[...] + b_ref[...]
        o_ref[...] = jnp.where(t >= 0, t, NEG * t)

    return pl.pallas_call(
        body,
        grid=(N // _R,),
        in_specs=[
            pl.BlockSpec((_R, D), lambda i: (i, 0)),
            pl.BlockSpec((_R, D), lambda i: (i, 0)),
            pl.BlockSpec((_R, D), lambda i: (i, 0)),
            pl.BlockSpec((_R, 1), lambda i: (i, 0)),
            pl.BlockSpec((1, D), lambda i: (0, 0)),
        ],
        out_specs=pl.BlockSpec((_R, D), lambda i: (i, 0)),
        out_shape=jax.ShapeDtypeStruct((N, D), jnp.float32),
    )(z0, z1, y2, dinv, b2)


def kernel(x, edge_index, W1, b1, W2, b2):
    pad = EPAD - E
    sink = N + jnp.arange(pad, dtype=jnp.int32) % (NPAD - N)
    srcp = jnp.concatenate([edge_index[0], jnp.full((pad,), N, jnp.int32)]).reshape(EPAD // K, K)
    dstp = jnp.concatenate([edge_index[1], sink]).reshape(EPAD // K, K)

    deg = _deg_call(dstp)
    dega = deg[0, :N].reshape(N, 1)
    degb = deg[1, :N].reshape(N, 1)

    y1, dinv = _tc1(x, W1, dega, degb)
    y1p = jnp.concatenate([y1, jnp.zeros((NPAD - N, D), jnp.float32)])
    z1 = _scat_call(y1p, srcp, dstp)

    y2 = _tc2(z1[0, :N], z1[1, :N], y1, dinv, b1.reshape(1, D), W2)
    y2p = jnp.concatenate([y2, jnp.zeros((NPAD - N, D), jnp.float32)])
    z2 = _scat_call(y2p, srcp, dstp)

    return _tc3(z2[0, :N], z2[1, :N], y2, dinv, b2.reshape(1, D))

# --- scband reference (transcript-rebuilt; emitter-appended) ---
"""Pipeline reference for scband-gcnblock-1546188226614 (READ-ONLY COPY).

The authoritative reference and input builder live on the scoring server;
editing this copy changes nothing except your own understanding.
"""

import jax, jax.numpy as jnp
import numpy as np

N_NODES = 10000
N_EDGES = 320000
D = 128
NEG_SLOPE = 0.01


def _gcn_conv(x, edge_index, W, b):
    n = x.shape[0]
    x = x @ W
    loop = jnp.arange(n, dtype=edge_index.dtype)
    src = jnp.concatenate([edge_index[0], loop])
    dst = jnp.concatenate([edge_index[1], loop])
    deg = jnp.zeros((n,), dtype=x.dtype).at[dst].add(1.0)
    dinv = jnp.where(deg > 0, 1.0 / jnp.sqrt(deg), 0.0)
    norm = dinv[src] * dinv[dst]
    msg = x[src] * norm[:, None]
    out = jnp.zeros_like(x).at[dst].add(msg)
    return out + b


def setup_inputs(seed: int = 0) -> dict:
    key = jax.random.key(seed)
    k1, k2, k3, k4, k5, k6 = jax.random.split(key, 6)
    x = jax.random.normal(k1, (N_NODES, D), dtype=jnp.float32)
    edge_index = jax.random.randint(k2, (2, N_EDGES), 0, N_NODES, dtype=jnp.int64 if jax.config.jax_enable_x64 else jnp.int32).astype(jnp.int32)
    scale = 1.0 / np.sqrt(D)
    W1 = jax.random.normal(k3, (D, D), dtype=jnp.float32) * scale
    b1 = jnp.zeros((D,), dtype=jnp.float32)
    W2 = jax.random.normal(k4, (D, D), dtype=jnp.float32) * scale
    b2 = jnp.zeros((D,), dtype=jnp.float32)
    return {"x": x, "edge_index": edge_index, "W1": W1, "b1": b1, "W2": W2, "b2": b2}


def reference(x, edge_index, W1, b1, W2, b2):
    h = _gcn_conv(x, edge_index, W1, b1)
    h = jax.nn.leaky_relu(h, negative_slope=NEG_SLOPE)
    h = _gcn_conv(h, edge_index, W2, b2)
    h = jax.nn.leaky_relu(h, negative_slope=NEG_SLOPE)
    return h

if __name__ == "__main__":
    import jax
    _d = setup_inputs()
    print(jax.jit(kernel)(*tuple(_d.values())))

</pallas_src>

<mosaic_0001>
#map = affine_map<(d0, d1) -> (0, 0)>
#map1 = affine_map<(d0, d1) -> (0, 0, 0)>
module attributes {stable_mosaic.version = 14 : i64} {
  func.func @_scat_call(%arg0: i32, %arg1: i32, %arg2: memref<10240x128xf32, #tpu.memory_space<hbm>>, %arg3: memref<2560x128xi32, #tpu.memory_space<hbm>>, %arg4: memref<2560x128xi32, #tpu.memory_space<hbm>>, %arg5: memref<2x10240x128xf32, #tpu.memory_space<hbm>>, %arg6: memref<10240x128xf32, #tpu.memory_space<vmem_shared>>, %arg7: memref<40x128xi32, #tpu.memory_space<vmem>>, %arg8: memref<40x128xi32, #tpu.memory_space<vmem>>, %arg9: memref<128x128xf32, #tpu.memory_space<vmem>>, %arg10: memref<128x128xf32, #tpu.memory_space<vmem>>, %arg11: memref<!tpu.dma_semaphore, #tpu.memory_space<semaphore_mem>>, %arg12: memref<!tpu.dma_semaphore, #tpu.memory_space<semaphore_mem>>) attributes {dimension_semantics = [#tpu.dimension_semantics<core_parallel>, #tpu.dimension_semantics<subcore_parallel>], iteration_bounds = array<i64: 2, 16>, scalar_prefetch = 0 : i64, scratch_operands = 7 : i64, tpu.core_type = #tpu.core_type<sc_vector_subcore>, window_params = [{transform_indices = #map}, {transform_indices = #map}, {transform_indices = #map}, {transform_indices = #map1}]} {
    %mul3A = arith.constant 16 : i32
    %mul3A_0 = arith.muli %arg0, %mul3A : i32
    %add3A = arith.addi %mul3A_0, %arg1 : i32
    %scan3A = arith.constant 0 : i32
    %scan3A_1 = arith.constant 0 : i32
    %scan3A_2 = arith.constant 128 : i32
    %scan3A_3 = arith.addi %scan3A_1, %scan3A_2 : i32
    %scan3A_4 = arith.constant 1 : i32
    %scan3A_5 = scf.for %scan3A_42 = %scan3A_1 to %scan3A_3 step %scan3A_4 iter_args(%scan3A_43 = %scan3A) -> (i32)  : i32 {
      %scan3A_44 = arith.constant 0 : i32
      %scan3A_45 = arith.constant 0 : i32
      %scan3A_46 = arith.constant 8 : i32
      %scan3A_47 = arith.addi %scan3A_45, %scan3A_46 : i32
      %scan3A_48 = arith.constant 1 : i32
      %scan3A_49 = scf.for %scan3A_51 = %scan3A_45 to %scan3A_47 step %scan3A_48 iter_args(%scan3A_52 = %scan3A_44) -> (i32)  : i32 {
        %broadcast_in_dim3A = arith.constant 0.000000e+00 : f32
        %broadcast_in_dim3A_53 = vector.broadcast %broadcast_in_dim3A : f32 to vector<16xf32>
        %mul3A_54 = arith.constant 16 : i32
        %mul3A_55 = arith.muli %scan3A_51, %mul3A_54 : i32
        %swap3A = arith.index_cast %scan3A_42 : i32 to index
        %swap3A_56 = arith.index_cast %mul3A_55 : i32 to index
        %swap3A_57 = tpu.vector_load %arg9[%swap3A, %swap3A_56] {strides = array<i32>} : memref<128x128xf32, #tpu.memory_space<vmem>>, vector<1x16xf32>,
        %swap3A_58 = vector.shape_cast %swap3A_57 : vector<1x16xf32> to vector<16xf32>
        %swap3A_59 = vector.shape_cast %broadcast_in_dim3A_53 : vector<16xf32> to vector<1x16xf32>
        tpu.vector_store %arg9[%swap3A, %swap3A_56], %swap3A_59 {strides = array<i32>} : memref<128x128xf32, #tpu.memory_space<vmem>>, vector<1x16xf32>,
        %scan3A_60 = arith.constant 0 : i32
        scf.yield %scan3A_60 : i32
      }
      %scan3A_50 = arith.constant 8 : i32
      scf.yield %scan3A_49 : i32
    }
    %scan3A_6 = arith.constant 128 : i32
    %mul3A_7 = arith.constant 640 : i32
    %mul3A_8 = arith.muli %arg1, %mul3A_7 : i32
    %add3A_9 = arith.constant 0 : i32
    %add3A_10 = arith.addi %mul3A_8, %add3A_9 : i32
    "tpu.region"() ({
      %run_scoped3A = tpu.sem_alloc : memref<!tpu.dma_semaphore, #tpu.memory_space<semaphore_mem>>
      %dma_start3A = arith.constant 0 : i32
      %dma_start3A_42 = tpu.memref_slice %arg6[%add3A_10, %dma_start3A] : memref<10240x128xf32, #tpu.memory_space<vmem_shared>> -> memref<128x128xf32, #tpu.memory_space<vmem_shared>>
      %dma_start3A_43 = arith.constant 0 : i32
      %dma_start3A_44 = tpu.memref_slice %arg6[%add3A_10, %dma_start3A_43] : memref<10240x128xf32, #tpu.memory_space<vmem_shared>> -> memref<128x128xf32, #tpu.memory_space<vmem_shared>>
      tpu.enqueue_dma source(%arg9 : memref<128x128xf32, #tpu.memory_space<vmem>>) target(%dma_start3A_44 : memref<128x128xf32, #tpu.memory_space<vmem_shared>>) target_semaphore(%run_scoped3A : memref<!tpu.dma_semaphore, #tpu.memory_space<semaphore_mem>>)
      %dma_wait3A = arith.constant 0 : i32
      %dma_wait3A_45 = tpu.memref_slice %arg6[%add3A_10, %dma_wait3A] : memref<10240x128xf32, #tpu.memory_space<vmem_shared>> -> memref<128x128xf32, #tpu.memory_space<vmem_shared>>
      %dma_wait3A_46 = arith.constant 0 : i32
      %dma_wait3A_47 = tpu.memref_slice %arg6[%add3A_10, %dma_wait3A_46] : memref<10240x128xf32, #tpu.memory_space<vmem_shared>> -> memref<128x128xf32, #tpu.memory_space<vmem_shared>>
      tpu.wait_dma2 semaphore(%run_scoped3A : memref<!tpu.dma_semaphore, #tpu.memory_space<semaphore_mem>>) src(%arg9 : memref<128x128xf32, #tpu.memory_space<vmem>>) dst(%dma_wait3A_47 : memref<128x128xf32, #tpu.memory_space<vmem_shared>>)
      tpu.yield
    }) : () -> ()
    %add3A_11 = arith.constant 128 : i32
    %add3A_12 = arith.addi %mul3A_8, %add3A_11 : i32
    "tpu.region"() ({
      %run_scoped3A = tpu.sem_alloc : memref<!tpu.dma_semaphore, #tpu.memory_space<semaphore_mem>>
      %dma_start3A = arith.constant 0 : i32
      %dma_start3A_42 = tpu.memref_slice %arg6[%add3A_12, %dma_start3A] : memref<10240x128xf32, #tpu.memory_space<vmem_shared>> -> memref<128x128xf32, #tpu.memory_space<vmem_shared>>
      %dma_start3A_43 = arith.constant 0 : i32
      %dma_start3A_44 = tpu.memref_slice %arg6[%add3A_12, %dma_start3A_43] : memref<10240x128xf32, #tpu.memory_space<vmem_shared>> -> memref<128x128xf32, #tpu.memory_space<vmem_shared>>
      tpu.enqueue_dma source(%arg9 : memref<128x128xf32, #tpu.memory_space<vmem>>) target(%dma_start3A_44 : memref<128x128xf32, #tpu.memory_space<vmem_shared>>) target_semaphore(%run_scoped3A : memref<!tpu.dma_semaphore, #tpu.memory_space<semaphore_mem>>)
      %dma_wait3A = arith.constant 0 : i32
      %dma_wait3A_45 = tpu.memref_slice %arg6[%add3A_12, %dma_wait3A] : memref<10240x128xf32, #tpu.memory_space<vmem_shared>> -> memref<128x128xf32, #tpu.memory_space<vmem_shared>>
      %dma_wait3A_46 = arith.constant 0 : i32
      %dma_wait3A_47 = tpu.memref_slice %arg6[%add3A_12, %dma_wait3A_46] : memref<10240x128xf32, #tpu.memory_space<vmem_shared>> -> memref<128x128xf32, #tpu.memory_space<vmem_shared>>
      tpu.wait_dma2 semaphore(%run_scoped3A : memref<!tpu.dma_semaphore, #tpu.memory_space<semaphore_mem>>) src(%arg9 : memref<128x128xf32, #tpu.memory_space<vmem>>) dst(%dma_wait3A_47 : memref<128x128xf32, #tpu.memory_space<vmem_shared>>)
      tpu.yield
    }) : () -> ()
    %add3A_13 = arith.constant 256 : i32
    %add3A_14 = arith.addi %mul3A_8, %add3A_13 : i32
    "tpu.region"() ({
      %run_scoped3A = tpu.sem_alloc : memref<!tpu.dma_semaphore, #tpu.memory_space<semaphore_mem>>
      %dma_start3A = arith.constant 0 : i32
      %dma_start3A_42 = tpu.memref_slice %arg6[%add3A_14, %dma_start3A] : memref<10240x128xf32, #tpu.memory_space<vmem_shared>> -> memref<128x128xf32, #tpu.memory_space<vmem_shared>>
      %dma_start3A_43 = arith.constant 0 : i32
      %dma_start3A_44 = tpu.memref_slice %arg6[%add3A_14, %dma_start3A_43] : memref<10240x128xf32, #tpu.memory_space<vmem_shared>> -> memref<128x128xf32, #tpu.memory_space<vmem_shared>>
      tpu.enqueue_dma source(%arg9 : memref<128x128xf32, #tpu.memory_space<vmem>>) target(%dma_start3A_44 : memref<128x128xf32, #tpu.memory_space<vmem_shared>>) target_semaphore(%run_scoped3A : memref<!tpu.dma_semaphore, #tpu.memory_space<semaphore_mem>>)
      %dma_wait3A = arith.constant 0 : i32
      %dma_wait3A_45 = tpu.memref_slice %arg6[%add3A_14, %dma_wait3A] : memref<10240x128xf32, #tpu.memory_space<vmem_shared>> -> memref<128x128xf32, #tpu.memory_space<vmem_shared>>
      %dma_wait3A_46 = arith.constant 0 : i32
      %dma_wait3A_47 = tpu.memref_slice %arg6[%add3A_14, %dma_wait3A_46] : memref<10240x128xf32, #tpu.memory_space<vmem_shared>> -> memref<128x128xf32, #tpu.memory_space<vmem_shared>>
      tpu.wait_dma2 semaphore(%run_scoped3A : memref<!tpu.dma_semaphore, #tpu.memory_space<semaphore_mem>>) src(%arg9 : memref<128x128xf32, #tpu.memory_space<vmem>>) dst(%dma_wait3A_47 : memref<128x128xf32, #tpu.memory_space<vmem_shared>>)
      tpu.yield
    }) : () -> ()
    %add3A_15 = arith.constant 384 : i32
    %add3A_16 = arith.addi %mul3A_8, %add3A_15 : i32
    "tpu.region"() ({
      %run_scoped3A = tpu.sem_alloc : memref<!tpu.dma_semaphore, #tpu.memory_space<semaphore_mem>>
      %dma_start3A = arith.constant 0 : i32
      %dma_start3A_42 = tpu.memref_slice %arg6[%add3A_16, %dma_start3A] : memref<10240x128xf32, #tpu.memory_space<vmem_shared>> -> memref<128x128xf32, #tpu.memory_space<vmem_shared>>
      %dma_start3A_43 = arith.constant 0 : i32
      %dma_start3A_44 = tpu.memref_slice %arg6[%add3A_16, %dma_start3A_43] : memref<10240x128xf32, #tpu.memory_space<vmem_shared>> -> memref<128x128xf32, #tpu.memory_space<vmem_shared>>
      tpu.enqueue_dma source(%arg9 : memref<128x128xf32, #tpu.memory_space<vmem>>) target(%dma_start3A_44 : memref<128x128xf32, #tpu.memory_space<vmem_shared>>) target_semaphore(%run_scoped3A : memref<!tpu.dma_semaphore, #tpu.memory_space<semaphore_mem>>)
      %dma_wait3A = arith.constant 0 : i32
      %dma_wait3A_45 = tpu.memref_slice %arg6[%add3A_16, %dma_wait3A] : memref<10240x128xf32, #tpu.memory_space<vmem_shared>> -> memref<128x128xf32, #tpu.memory_space<vmem_shared>>
      %dma_wait3A_46 = arith.constant 0 : i32
      %dma_wait3A_47 = tpu.memref_slice %arg6[%add3A_16, %dma_wait3A_46] : memref<10240x128xf32, #tpu.memory_space<vmem_shared>> -> memref<128x128xf32, #tpu.memory_space<vmem_shared>>
      tpu.wait_dma2 semaphore(%run_scoped3A : memref<!tpu.dma_semaphore, #tpu.memory_space<semaphore_mem>>) src(%arg9 : memref<128x128xf32, #tpu.memory_space<vmem>>) dst(%dma_wait3A_47 : memref<128x128xf32, #tpu.memory_space<vmem_shared>>)
      tpu.yield
    }) : () -> ()
    %add3A_17 = arith.constant 512 : i32
    %add3A_18 = arith.addi %mul3A_8, %add3A_17 : i32
    "tpu.region"() ({
      %run_scoped3A = tpu.sem_alloc : memref<!tpu.dma_semaphore, #tpu.memory_space<semaphore_mem>>
      %dma_start3A = arith.constant 0 : i32
      %dma_start3A_42 = tpu.memref_slice %arg6[%add3A_18, %dma_start3A] : memref<10240x128xf32, #tpu.memory_space<vmem_shared>> -> memref<128x128xf32, #tpu.memory_space<vmem_shared>>
      %dma_start3A_43 = arith.constant 0 : i32
      %dma_start3A_44 = tpu.memref_slice %arg6[%add3A_18, %dma_start3A_43] : memref<10240x128xf32, #tpu.memory_space<vmem_shared>> -> memref<128x128xf32, #tpu.memory_space<vmem_shared>>
      tpu.enqueue_dma source(%arg9 : memref<128x128xf32, #tpu.memory_space<vmem>>) target(%dma_start3A_44 : memref<128x128xf32, #tpu.memory_space<vmem_shared>>) target_semaphore(%run_scoped3A : memref<!tpu.dma_semaphore, #tpu.memory_space<semaphore_mem>>)
      %dma_wait3A = arith.constant 0 : i32
      %dma_wait3A_45 = tpu.memref_slice %arg6[%add3A_18, %dma_wait3A] : memref<10240x128xf32, #tpu.memory_space<vmem_shared>> -> memref<128x128xf32, #tpu.memory_space<vmem_shared>>
      %dma_wait3A_46 = arith.constant 0 : i32
      %dma_wait3A_47 = tpu.memref_slice %arg6[%add3A_18, %dma_wait3A_46] : memref<10240x128xf32, #tpu.memory_space<vmem_shared>> -> memref<128x128xf32, #tpu.memory_space<vmem_shared>>
      tpu.wait_dma2 semaphore(%run_scoped3A : memref<!tpu.dma_semaphore, #tpu.memory_space<semaphore_mem>>) src(%arg9 : memref<128x128xf32, #tpu.memory_space<vmem>>) dst(%dma_wait3A_47 : memref<128x128xf32, #tpu.memory_space<vmem_shared>>)
      tpu.yield
    }) : () -> ()
    %barrier3A = arith.constant 0 : index
    tpu.barrier barrier_id(%barrier3A)
    %eq3A = arith.constant 0 : i32
    %eq3A_19 = arith.cmpi eq, %arg0, %eq3A : i32
    %jit3A = arith.constant 3 : i32
    %jit3A_20 = arith.constant 1 : i32
    %select_n3A = arith.select %eq3A_19, %jit3A, %jit3A_20 : i32
    %eq3A_21 = arith.constant 0 : i32
    %eq3A_22 = arith.cmpi eq, %arg0, %eq3A_21 : i32
    %mul3A_23 = arith.constant 120 : i32
    %mul3A_24 = arith.muli %arg1, %mul3A_23 : i32
    %mul3A_25 = arith.constant 40 : i32
    %mul3A_26 = arith.muli %arg1, %mul3A_25 : i32
    %add3A_27 = arith.constant 1920 : i32
    %add3A_28 = arith.addi %add3A_27, %mul3A_26 : i32
    %select_n3A_29 = arith.select %eq3A_22, %mul3A_24, %add3A_28 : i32
    %while3A = arith.constant 0 : i32
    %while3A_30 = arith.constant 0 : i32
    %while3A_31 = arith.subi %select_n3A, %while3A : i32
    %while3A_32 = arith.addi %while3A, %while3A_31 : i32
    %while3A_33 = arith.constant 1 : i32
    %while3A_34 = arith.divsi %while3A_31, %while3A_33 : i32
    %while3A_35 = arith.muli %while3A_34, %while3A_33 : i32
    %while3A_36 = arith.addi %while3A, %while3A_35 : i32
    %while3A_37 = arith.constant 1 : i32
    %while3A_38 = scf.for %while3A_42 = %while3A to %while3A_36 step %while3A_37 iter_args(%while3A_43 = %while3A_30) -> (i32)  : i32 {
      %mul3A_44 = arith.constant 40 : i32
      %mul3A_45 = arith.muli %while3A_42, %mul3A_44 : i32
      %add3A_46 = arith.addi %select_n3A_29, %mul3A_45 : i32
      "tpu.region"() ({
        %run_scoped3A_82 = tpu.sem_alloc : memref<!tpu.dma_semaphore, #tpu.memory_space<semaphore_mem>>
        %dma_start3A_83 = arith.constant 0 : i32
        %dma_start3A_84 = tpu.memref_slice %arg3[%add3A_46, %dma_start3A_83] : memref<2560x128xi32, #tpu.memory_space<hbm>> -> memref<40x128xi32, #tpu.memory_space<hbm>>
        %dma_start3A_85 = arith.constant 0 : i32
        %dma_start3A_86 = tpu.memref_slice %arg3[%add3A_46, %dma_start3A_85] : memref<2560x128xi32, #tpu.memory_space<hbm>> -> memref<40x128xi32, #tpu.memory_space<hbm>>
        tpu.enqueue_dma source(%dma_start3A_86 : memref<40x128xi32, #tpu.memory_space<hbm>>) target(%arg7 : memref<40x128xi32, #tpu.memory_space<vmem>>) target_semaphore(%run_scoped3A_82 : memref<!tpu.dma_semaphore, #tpu.memory_space<semaphore_mem>>)
        %dma_wait3A_87 = arith.constant 0 : i32
        %dma_wait3A_88 = tpu.memref_slice %arg3[%add3A_46, %dma_wait3A_87] : memref<2560x128xi32, #tpu.memory_space<hbm>> -> memref<40x128xi32, #tpu.memory_space<hbm>>
        %dma_wait3A_89 = arith.constant 0 : i32
        %dma_wait3A_90 = tpu.memref_slice %arg3[%add3A_46, %dma_wait3A_89] : memref<2560x128xi32, #tpu.memory_space<hbm>> -> memref<40x128xi32, #tpu.memory_space<hbm>>
        tpu.wait_dma2 semaphore(%run_scoped3A_82 : memref<!tpu.dma_semaphore, #tpu.memory_space<semaphore_mem>>) src(%dma_wait3A_90 : memref<40x128xi32, #tpu.memory_space<hbm>>) dst(%arg7 : memref<40x128xi32, #tpu.memory_space<vmem>>)
        tpu.yield
      }) : () -> ()
      "tpu.region"() ({
        %run_scoped3A_82 = tpu.sem_alloc : memref<!tpu.dma_semaphore, #tpu.memory_space<semaphore_mem>>
        %dma_start3A_83 = arith.constant 0 : i32
        %dma_start3A_84 = tpu.memref_slice %arg4[%add3A_46, %dma_start3A_83] : memref<2560x128xi32, #tpu.memory_space<hbm>> -> memref<40x128xi32, #tpu.memory_space<hbm>>
        %dma_start3A_85 = arith.constant 0 : i32
        %dma_start3A_86 = tpu.memref_slice %arg4[%add3A_46, %dma_start3A_85] : memref<2560x128xi32, #tpu.memory_space<hbm>> -> memref<40x128xi32, #tpu.memory_space<hbm>>
        tpu.enqueue_dma source(%dma_start3A_86 : memref<40x128xi32, #tpu.memory_space<hbm>>) target(%arg8 : memref<40x128xi32, #tpu.memory_space<vmem>>) target_semaphore(%run_scoped3A_82 : memref<!tpu.dma_semaphore, #tpu.memory_space<semaphore_mem>>)
        %dma_wait3A_87 = arith.constant 0 : i32
        %dma_wait3A_88 = tpu.memref_slice %arg4[%add3A_46, %dma_wait3A_87] : memref<2560x128xi32, #tpu.memory_space<hbm>> -> memref<40x128xi32, #tpu.memory_space<hbm>>
        %dma_wait3A_89 = arith.constant 0 : i32
        %dma_wait3A_90 = tpu.memref_slice %arg4[%add3A_46, %dma_wait3A_89] : memref<2560x128xi32, #tpu.memory_space<hbm>> -> memref<40x128xi32, #tpu.memory_space<hbm>>
        tpu.wait_dma2 semaphore(%run_scoped3A_82 : memref<!tpu.dma_semaphore, #tpu.memory_space<semaphore_mem>>) src(%dma_wait3A_90 : memref<40x128xi32, #tpu.memory_space<hbm>>) dst(%arg8 : memref<40x128xi32, #tpu.memory_space<vmem>>)
        tpu.yield
      }) : () -> ()
      %dma_start3A = arith.constant 0 : i32
      %dma_start3A_47 = arith.constant 0 : i32
      %dma_start3A_48 = tpu.memref_slice %arg7[%dma_start3A, %dma_start3A_47] : memref<40x128xi32, #tpu.memory_space<vmem>> -> memref<1x128xi32, #tpu.memory_space<vmem>>
      %dma_start3A_49 = tpu.memref_squeeze %dma_start3A_48 : memref<1x128xi32, #tpu.memory_space<vmem>> -> memref<128xi32, #tpu.memory_space<vmem>>
      %dma_start3A_50 = arith.constant 0 : i32
      %dma_start3A_51 = arith.constant 0 : i32
      %dma_start3A_52 = tpu.memref_slice %arg2[%dma_start3A_50, %dma_start3A_51] : memref<10240x128xf32, #tpu.memory_space<hbm>> -> memref<10240x128xf32, #tpu.memory_space<hbm>>
      tpu.enqueue_indirect_dma source(%dma_start3A_52 : memref<10240x128xf32, #tpu.memory_space<hbm>>) target(%arg9 : memref<128x128xf32, #tpu.memory_space<vmem>>) offsets(%dma_start3A_49 : memref<128xi32, #tpu.memory_space<vmem>>) semaphore(%arg11 : memref<!tpu.dma_semaphore, #tpu.memory_space<semaphore_mem>>)
      %scan3A_53 = arith.constant 0 : i32
      %scan3A_54 = arith.constant 0 : i32
      %scan3A_55 = arith.constant 19 : i32
      %scan3A_56 = arith.addi %scan3A_54, %scan3A_55 : i32
      %scan3A_57 = arith.constant 1 : i32
      %scan3A_58 = scf.for %scan3A_82 = %scan3A_54 to %scan3A_56 step %scan3A_57 iter_args(%scan3A_83 = %scan3A_53) -> (i32)  : i32 {
        %mul3A_84 = arith.constant 2 : i32
        %mul3A_85 = arith.muli %mul3A_84, %scan3A_82 : i32
        %add3A_86 = arith.constant 1 : i32
        %add3A_87 = arith.addi %mul3A_85, %add3A_86 : i32
        %dma_start3A_88 = arith.constant 0 : i32
        %dma_start3A_89 = tpu.memref_slice %arg7[%add3A_87, %dma_start3A_88] : memref<40x128xi32, #tpu.memory_space<vmem>> -> memref<1x128xi32, #tpu.memory_space<vmem>>
        %dma_start3A_90 = tpu.memref_squeeze %dma_start3A_89 : memref<1x128xi32, #tpu.memory_space<vmem>> -> memref<128xi32, #tpu.memory_space<vmem>>
        %dma_start3A_91 = arith.constant 0 : i32
        %dma_start3A_92 = arith.constant 0 : i32
        %dma_start3A_93 = tpu.memref_slice %arg2[%dma_start3A_91, %dma_start3A_92] : memref<10240x128xf32, #tpu.memory_space<hbm>> -> memref<10240x128xf32, #tpu.memory_space<hbm>>
        tpu.enqueue_indirect_dma source(%dma_start3A_93 : memref<10240x128xf32, #tpu.memory_space<hbm>>) target(%arg10 : memref<128x128xf32, #tpu.memory_space<vmem>>) offsets(%dma_start3A_90 : memref<128xi32, #tpu.memory_space<vmem>>) semaphore(%arg12 : memref<!tpu.dma_semaphore, #tpu.memory_space<semaphore_mem>>)
        %dma_wait3A_94 = arith.constant 0 : i32
        %dma_wait3A_95 = tpu.memref_slice %arg7[%mul3A_85, %dma_wait3A_94] : memref<40x128xi32, #tpu.memory_space<vmem>> -> memref<1x128xi32, #tpu.memory_space<vmem>>
        %dma_wait3A_96 = tpu.memref_squeeze %dma_wait3A_95 : memref<1x128xi32, #tpu.memory_space<vmem>> -> memref<128xi32, #tpu.memory_space<vmem>>
        %dma_wait3A_97 = arith.constant 0 : i32
        %dma_wait3A_98 = arith.constant 0 : i32
        %dma_wait3A_99 = tpu.memref_slice %arg2[%dma_wait3A_97, %dma_wait3A_98] : memref<10240x128xf32, #tpu.memory_space<hbm>> -> memref<10240x128xf32, #tpu.memory_space<hbm>>
        tpu.wait_indirect_dma semaphore(%arg11 : memref<!tpu.dma_semaphore, #tpu.memory_space<semaphore_mem>>) src(%dma_wait3A_99 : memref<10240x128xf32, #tpu.memory_space<hbm>>) dst(%arg9 : memref<128x128xf32, #tpu.memory_space<vmem>>)
        "tpu.region"() ({
          %run_scoped3A_119 = tpu.sem_alloc : memref<!tpu.dma_semaphore, #tpu.memory_space<semaphore_mem>>
          %dma_start3A_120 = arith.constant 0 : i32
          %dma_start3A_121 = tpu.memref_slice %arg8[%mul3A_85, %dma_start3A_120] : memref<40x128xi32, #tpu.memory_space<vmem>> -> memref<1x128xi32, #tpu.memory_space<vmem>>
          %dma_start3A_122 = tpu.memref_squeeze %dma_start3A_121 : memref<1x128xi32, #tpu.memory_space<vmem>> -> memref<128xi32, #tpu.memory_space<vmem>>
          %dma_start3A_123 = arith.constant 0 : i32
          %dma_start3A_124 = arith.constant 0 : i32
          %dma_start3A_125 = tpu.memref_slice %arg6[%dma_start3A_123, %dma_start3A_124] : memref<10240x128xf32, #tpu.memory_space<vmem_shared>> -> memref<10240x128xf32, #tpu.memory_space<vmem_shared>>
          tpu.enqueue_indirect_dma source(%arg9 : memref<128x128xf32, #tpu.memory_space<vmem>>) target(%dma_start3A_125 : memref<10240x128xf32, #tpu.memory_space<vmem_shared>>) offsets(%dma_start3A_122 : memref<128xi32, #tpu.memory_space<vmem>>) semaphore(%run_scoped3A_119 : memref<!tpu.dma_semaphore, #tpu.memory_space<semaphore_mem>>) {add = true}
          %dma_wait3A_126 = arith.constant 0 : i32
          %dma_wait3A_127 = tpu.memref_slice %arg8[%mul3A_85, %dma_wait3A_126] : memref<40x128xi32, #tpu.memory_space<vmem>> -> memref<1x128xi32, #tpu.memory_space<vmem>>
          %dma_wait3A_128 = tpu.memref_squeeze %dma_wait3A_127 : memref<1x128xi32, #tpu.memory_space<vmem>> -> memref<128xi32, #tpu.memory_space<vmem>>
          %dma_wait3A_129 = arith.constant 0 : i32
          %dma_wait3A_130 = arith.constant 0 : i32
          %dma_wait3A_131 = tpu.memref_slice %arg6[%dma_wait3A_129, %dma_wait3A_130] : memref<10240x128xf32, #tpu.memory_space<vmem_shared>> -> memref<10240x128xf32, #tpu.memory_space<vmem_shared>>
          tpu.wait_indirect_dma semaphore(%run_scoped3A_119 : memref<!tpu.dma_semaphore, #tpu.memory_space<semaphore_mem>>) src(%arg9 : memref<128x128xf32, #tpu.memory_space<vmem>>) dst(%dma_wait3A_131 : memref<10240x128xf32, #tpu.memory_space<vmem_shared>>)
          tpu.yield
        }) : () -> ()
        %add3A_100 = arith.constant 2 : i32
        %add3A_101 = arith.addi %mul3A_85, %add3A_100 : i32
        %dma_start3A_102 = arith.constant 0 : i32
        %dma_start3A_103 = tpu.memref_slice %arg7[%add3A_101, %dma_start3A_102] : memref<40x128xi32, #tpu.memory_space<vmem>> -> memref<1x128xi32, #tpu.memory_space<vmem>>
        %dma_start3A_104 = tpu.memref_squeeze %dma_start3A_103 : memref<1x128xi32, #tpu.memory_space<vmem>> -> memref<128xi32, #tpu.memory_space<vmem>>
        %dma_start3A_105 = arith.constant 0 : i32
        %dma_start3A_106 = arith.constant 0 : i32
        %dma_start3A_107 = tpu.memref_slice %arg2[%dma_start3A_105, %dma_start3A_106] : memref<10240x128xf32, #tpu.memory_space<hbm>> -> memref<10240x128xf32, #tpu.memory_space<hbm>>
        tpu.enqueue_indirect_dma source(%dma_start3A_107 : memref<10240x128xf32, #tpu.memory_space<hbm>>) target(%arg9 : memref<128x128xf32, #tpu.memory_space<vmem>>) offsets(%dma_start3A_104 : memref<128xi32, #tpu.memory_space<vmem>>) semaphore(%arg11 : memref<!tpu.dma_semaphore, #tpu.memory_space<semaphore_mem>>)
        %add3A_108 = arith.constant 1 : i32
        %add3A_109 = arith.addi %mul3A_85, %add3A_108 : i32
        %dma_wait3A_110 = arith.constant 0 : i32
        %dma_wait3A_111 = tpu.memref_slice %arg7[%add3A_109, %dma_wait3A_110] : memref<40x128xi32, #tpu.memory_space<vmem>> -> memref<1x128xi32, #tpu.memory_space<vmem>>
        %dma_wait3A_112 = tpu.memref_squeeze %dma_wait3A_111 : memref<1x128xi32, #tpu.memory_space<vmem>> -> memref<128xi32, #tpu.memory_space<vmem>>
        %dma_wait3A_113 = arith.constant 0 : i32
        %dma_wait3A_114 = arith.constant 0 : i32
        %dma_wait3A_115 = tpu.memref_slice %arg2[%dma_wait3A_113, %dma_wait3A_114] : memref<10240x128xf32, #tpu.memory_space<hbm>> -> memref<10240x128xf32, #tpu.memory_space<hbm>>
        tpu.wait_indirect_dma semaphore(%arg12 : memref<!tpu.dma_semaphore, #tpu.memory_space<semaphore_mem>>) src(%dma_wait3A_115 : memref<10240x128xf32, #tpu.memory_space<hbm>>) dst(%arg10 : memref<128x128xf32, #tpu.memory_space<vmem>>)
        %add3A_116 = arith.constant 1 : i32
        %add3A_117 = arith.addi %mul3A_85, %add3A_116 : i32
        "tpu.region"() ({
          %run_scoped3A_119 = tpu.sem_alloc : memref<!tpu.dma_semaphore, #tpu.memory_space<semaphore_mem>>
          %dma_start3A_120 = arith.constant 0 : i32
          %dma_start3A_121 = tpu.memref_slice %arg8[%add3A_117, %dma_start3A_120] : memref<40x128xi32, #tpu.memory_space<vmem>> -> memref<1x128xi32, #tpu.memory_space<vmem>>
          %dma_start3A_122 = tpu.memref_squeeze %dma_start3A_121 : memref<1x128xi32, #tpu.memory_space<vmem>> -> memref<128xi32, #tpu.memory_space<vmem>>
          %dma_start3A_123 = arith.constant 0 : i32
          %dma_start3A_124 = arith.constant 0 : i32
          %dma_start3A_125 = tpu.memref_slice %arg6[%dma_start3A_123, %dma_start3A_124] : memref<10240x128xf32, #tpu.memory_space<vmem_shared>> -> memref<10240x128xf32, #tpu.memory_space<vmem_shared>>
          tpu.enqueue_indirect_dma source(%arg10 : memref<128x128xf32, #tpu.memory_space<vmem>>) target(%dma_start3A_125 : memref<10240x128xf32, #tpu.memory_space<vmem_shared>>) offsets(%dma_start3A_122 : memref<128xi32, #tpu.memory_space<vmem>>) semaphore(%run_scoped3A_119 : memref<!tpu.dma_semaphore, #tpu.memory_space<semaphore_mem>>) {add = true}
          %dma_wait3A_126 = arith.constant 0 : i32
          %dma_wait3A_127 = tpu.memref_slice %arg8[%add3A_117, %dma_wait3A_126] : memref<40x128xi32, #tpu.memory_space<vmem>> -> memref<1x128xi32, #tpu.memory_space<vmem>>
          %dma_wait3A_128 = tpu.memref_squeeze %dma_wait3A_127 : memref<1x128xi32, #tpu.memory_space<vmem>> -> memref<128xi32, #tpu.memory_space<vmem>>
          %dma_wait3A_129 = arith.constant 0 : i32
          %dma_wait3A_130 = arith.constant 0 : i32
          %dma_wait3A_131 = tpu.memref_slice %arg6[%dma_wait3A_129, %dma_wait3A_130] : memref<10240x128xf32, #tpu.memory_space<vmem_shared>> -> memref<10240x128xf32, #tpu.memory_space<vmem_shared>>
          tpu.wait_indirect_dma semaphore(%run_scoped3A_119 : memref<!tpu.dma_semaphore, #tpu.memory_space<semaphore_mem>>) src(%arg10 : memref<128x128xf32, #tpu.memory_space<vmem>>) dst(%dma_wait3A_131 : memref<10240x128xf32, #tpu.memory_space<vmem_shared>>)
          tpu.yield
        }) : () -> ()
        %scan3A_118 = arith.constant 0 : i32
        scf.yield %scan3A_118 : i32
      }
      %scan3A_59 = arith.constant 19 : i32
      %dma_start3A_60 = arith.constant 39 : i32
      %dma_start3A_61 = arith.constant 0 : i32
      %dma_start3A_62 = tpu.memref_slice %arg7[%dma_start3A_60, %dma_start3A_61] : memref<40x128xi32, #tpu.memory_space<vmem>> -> memref<1x128xi32, #tpu.memory_space<vmem>>
      %dma_start3A_63 = tpu.memref_squeeze %dma_start3A_62 : memref<1x128xi32, #tpu.memory_space<vmem>> -> memref<128xi32, #tpu.memory_space<vmem>>
      %dma_start3A_64 = arith.constant 0 : i32
      %dma_start3A_65 = arith.constant 0 : i32
      %dma_start3A_66 = tpu.memref_slice %arg2[%dma_start3A_64, %dma_start3A_65] : memref<10240x128xf32, #tpu.memory_space<hbm>> -> memref<10240x128xf32, #tpu.memory_space<hbm>>
      tpu.enqueue_indirect_dma source(%dma_start3A_66 : memref<10240x128xf32, #tpu.memory_space<hbm>>) target(%arg10 : memref<128x128xf32, #tpu.memory_space<vmem>>) offsets(%dma_start3A_63 : memref<128xi32, #tpu.memory_space<vmem>>) semaphore(%arg12 : memref<!tpu.dma_semaphore, #tpu.memory_space<semaphore_mem>>)
      %dma_wait3A = arith.constant 38 : i32
      %dma_wait3A_67 = arith.constant 0 : i32
      %dma_wait3A_68 = tpu.memref_slice %arg7[%dma_wait3A, %dma_wait3A_67] : memref<40x128xi32, #tpu.memory_space<vmem>> -> memref<1x128xi32, #tpu.memory_space<vmem>>
      %dma_wait3A_69 = tpu.memref_squeeze %dma_wait3A_68 : memref<1x128xi32, #tpu.memory_space<vmem>> -> memref<128xi32, #tpu.memory_space<vmem>>
      %dma_wait3A_70 = arith.constant 0 : i32
      %dma_wait3A_71 = arith.constant 0 : i32
      %dma_wait3A_72 = tpu.memref_slice %arg2[%dma_wait3A_70, %dma_wait3A_71] : memref<10240x128xf32, #tpu.memory_space<hbm>> -> memref<10240x128xf32, #tpu.memory_space<hbm>>
      tpu.wait_indirect_dma semaphore(%arg11 : memref<!tpu.dma_semaphore, #tpu.memory_space<semaphore_mem>>) src(%dma_wait3A_72 : memref<10240x128xf32, #tpu.memory_space<hbm>>) dst(%arg9 : memref<128x128xf32, #tpu.memory_space<vmem>>)
      %run_scoped3A = arith.constant 38 : i32
      "tpu.region"() ({
        %run_scoped3A_82 = tpu.sem_alloc : memref<!tpu.dma_semaphore, #tpu.memory_space<semaphore_mem>>
        %dma_start3A_83 = arith.constant 0 : i32
        %dma_start3A_84 = tpu.memref_slice %arg8[%run_scoped3A, %dma_start3A_83] : memref<40x128xi32, #tpu.memory_space<vmem>> -> memref<1x128xi32, #tpu.memory_space<vmem>>
        %dma_start3A_85 = tpu.memref_squeeze %dma_start3A_84 : memref<1x128xi32, #tpu.memory_space<vmem>> -> memref<128xi32, #tpu.memory_space<vmem>>
        %dma_start3A_86 = arith.constant 0 : i32
        %dma_start3A_87 = arith.constant 0 : i32
        %dma_start3A_88 = tpu.memref_slice %arg6[%dma_start3A_86, %dma_start3A_87] : memref<10240x128xf32, #tpu.memory_space<vmem_shared>> -> memref<10240x128xf32, #tpu.memory_space<vmem_shared>>
        tpu.enqueue_indirect_dma source(%arg9 : memref<128x128xf32, #tpu.memory_space<vmem>>) target(%dma_start3A_88 : memref<10240x128xf32, #tpu.memory_space<vmem_shared>>) offsets(%dma_start3A_85 : memref<128xi32, #tpu.memory_space<vmem>>) semaphore(%run_scoped3A_82 : memref<!tpu.dma_semaphore, #tpu.memory_space<semaphore_mem>>) {add = true}
        %dma_wait3A_89 = arith.constant 0 : i32
        %dma_wait3A_90 = tpu.memref_slice %arg8[%run_scoped3A, %dma_wait3A_89] : memref<40x128xi32, #tpu.memory_space<vmem>> -> memref<1x128xi32, #tpu.memory_space<vmem>>
        %dma_wait3A_91 = tpu.memref_squeeze %dma_wait3A_90 : memref<1x128xi32, #tpu.memory_space<vmem>> -> memref<128xi32, #tpu.memory_space<vmem>>
        %dma_wait3A_92 = arith.constant 0 : i32
        %dma_wait3A_93 = arith.constant 0 : i32
        %dma_wait3A_94 = tpu.memref_slice %arg6[%dma_wait3A_92, %dma_wait3A_93] : memref<10240x128xf32, #tpu.memory_space<vmem_shared>> -> memref<10240x128xf32, #tpu.memory_space<vmem_shared>>
        tpu.wait_indirect_dma semaphore(%run_scoped3A_82 : memref<!tpu.dma_semaphore, #tpu.memory_space<semaphore_mem>>) src(%arg9 : memref<128x128xf32, #tpu.memory_space<vmem>>) dst(%dma_wait3A_94 : memref<10240x128xf32, #tpu.memory_space<vmem_shared>>)
        tpu.yield
      }) : () -> ()
      %dma_wait3A_73 = arith.constant 39 : i32
      %dma_wait3A_74 = arith.constant 0 : i32
      %dma_wait3A_75 = tpu.memref_slice %arg7[%dma_wait3A_73, %dma_wait3A_74] : memref<40x128xi32, #tpu.memory_space<vmem>> -> memref<1x128xi32, #tpu.memory_space<vmem>>
      %dma_wait3A_76 = tpu.memref_squeeze %dma_wait3A_75 : memref<1x128xi32, #tpu.memory_space<vmem>> -> memref<128xi32, #tpu.memory_space<vmem>>
      %dma_wait3A_77 = arith.constant 0 : i32
      %dma_wait3A_78 = arith.constant 0 : i32
      %dma_wait3A_79 = tpu.memref_slice %arg2[%dma_wait3A_77, %dma_wait3A_78] : memref<10240x128xf32, #tpu.memory_space<hbm>> -> memref<10240x128xf32, #tpu.memory_space<hbm>>
      tpu.wait_indirect_dma semaphore(%arg12 : memref<!tpu.dma_semaphore, #tpu.memory_space<semaphore_mem>>) src(%dma_wait3A_79 : memref<10240x128xf32, #tpu.memory_space<hbm>>) dst(%arg10 : memref<128x128xf32, #tpu.memory_space<vmem>>)
      %run_scoped3A_80 = arith.constant 39 : i32
      "tpu.region"() ({
        %run_scoped3A_82 = tpu.sem_alloc : memref<!tpu.dma_semaphore, #tpu.memory_space<semaphore_mem>>
        %dma_start3A_83 = arith.constant 0 : i32
        %dma_start3A_84 = tpu.memref_slice %arg8[%run_scoped3A_80, %dma_start3A_83] : memref<40x128xi32, #tpu.memory_space<vmem>> -> memref<1x128xi32, #tpu.memory_space<vmem>>
        %dma_start3A_85 = tpu.memref_squeeze %dma_start3A_84 : memref<1x128xi32, #tpu.memory_space<vmem>> -> memref<128xi32, #tpu.memory_space<vmem>>
        %dma_start3A_86 = arith.constant 0 : i32
        %dma_start3A_87 = arith.constant 0 : i32
        %dma_start3A_88 = tpu.memref_slice %arg6[%dma_start3A_86, %dma_start3A_87] : memref<10240x128xf32, #tpu.memory_space<vmem_shared>> -> memref<10240x128xf32, #tpu.memory_space<vmem_shared>>
        tpu.enqueue_indirect_dma source(%arg10 : memref<128x128xf32, #tpu.memory_space<vmem>>) target(%dma_start3A_88 : memref<10240x128xf32, #tpu.memory_space<vmem_shared>>) offsets(%dma_start3A_85 : memref<128xi32, #tpu.memory_space<vmem>>) semaphore(%run_scoped3A_82 : memref<!tpu.dma_semaphore, #tpu.memory_space<semaphore_mem>>) {add = true}
        %dma_wait3A_89 = arith.constant 0 : i32
        %dma_wait3A_90 = tpu.memref_slice %arg8[%run_scoped3A_80, %dma_wait3A_89] : memref<40x128xi32, #tpu.memory_space<vmem>> -> memref<1x128xi32, #tpu.memory_space<vmem>>
        %dma_wait3A_91 = tpu.memref_squeeze %dma_wait3A_90 : memref<1x128xi32, #tpu.memory_space<vmem>> -> memref<128xi32, #tpu.memory_space<vmem>>
        %dma_wait3A_92 = arith.constant 0 : i32
        %dma_wait3A_93 = arith.constant 0 : i32
        %dma_wait3A_94 = tpu.memref_slice %arg6[%dma_wait3A_92, %dma_wait3A_93] : memref<10240x128xf32, #tpu.memory_space<vmem_shared>> -> memref<10240x128xf32, #tpu.memory_space<vmem_shared>>
        tpu.wait_indirect_dma semaphore(%run_scoped3A_82 : memref<!tpu.dma_semaphore, #tpu.memory_space<semaphore_mem>>) src(%arg10 : memref<128x128xf32, #tpu.memory_space<vmem>>) dst(%dma_wait3A_94 : memref<10240x128xf32, #tpu.memory_space<vmem_shared>>)
        tpu.yield
      }) : () -> ()
      %while3A_81 = arith.constant 0 : i32
      scf.yield %while3A_81 : i32
    }
    %while3A_39 = arith.constant 1 : i32
    %while3A_40 = scf.for %while3A_42 = %while3A_36 to %while3A_32 step %while3A_39 iter_args(%while3A_43 = %while3A_38) -> (i32)  : i32 {
      %mul3A_44 = arith.constant 40 : i32
      %mul3A_45 = arith.muli %while3A_42, %mul3A_44 : i32
      %add3A_46 = arith.addi %select_n3A_29, %mul3A_45 : i32
      "tpu.region"() ({
        %run_scoped3A_82 = tpu.sem_alloc : memref<!tpu.dma_semaphore, #tpu.memory_space<semaphore_mem>>
        %dma_start3A_83 = arith.constant 0 : i32
        %dma_start3A_84 = tpu.memref_slice %arg3[%add3A_46, %dma_start3A_83] : memref<2560x128xi32, #tpu.memory_space<hbm>> -> memref<40x128xi32, #tpu.memory_space<hbm>>
        %dma_start3A_85 = arith.constant 0 : i32
        %dma_start3A_86 = tpu.memref_slice %arg3[%add3A_46, %dma_start3A_85] : memref<2560x128xi32, #tpu.memory_space<hbm>> -> memref<40x128xi32, #tpu.memory_space<hbm>>
        tpu.enqueue_dma source(%dma_start3A_86 : memref<40x128xi32, #tpu.memory_space<hbm>>) target(%arg7 : memref<40x128xi32, #tpu.memory_space<vmem>>) target_semaphore(%run_scoped3A_82 : memref<!tpu.dma_semaphore, #tpu.memory_space<semaphore_mem>>)
        %dma_wait3A_87 = arith.constant 0 : i32
        %dma_wait3A_88 = tpu.memref_slice %arg3[%add3A_46, %dma_wait3A_87] : memref<2560x128xi32, #tpu.memory_space<hbm>> -> memref<40x128xi32, #tpu.memory_space<hbm>>
        %dma_wait3A_89 = arith.constant 0 : i32
        %dma_wait3A_90 = tpu.memref_slice %arg3[%add3A_46, %dma_wait3A_89] : memref<2560x128xi32, #tpu.memory_space<hbm>> -> memref<40x128xi32, #tpu.memory_space<hbm>>
        tpu.wait_dma2 semaphore(%run_scoped3A_82 : memref<!tpu.dma_semaphore, #tpu.memory_space<semaphore_mem>>) src(%dma_wait3A_90 : memref<40x128xi32, #tpu.memory_space<hbm>>) dst(%arg7 : memref<40x128xi32, #tpu.memory_space<vmem>>)
        tpu.yield
      }) : () -> ()
      "tpu.region"() ({
        %run_scoped3A_82 = tpu.sem_alloc : memref<!tpu.dma_semaphore, #tpu.memory_space<semaphore_mem>>
        %dma_start3A_83 = arith.constant 0 : i32
        %dma_start3A_84 = tpu.memref_slice %arg4[%add3A_46, %dma_start3A_83] : memref<2560x128xi32, #tpu.memory_space<hbm>> -> memref<40x128xi32, #tpu.memory_space<hbm>>
        %dma_start3A_85 = arith.constant 0 : i32
        %dma_start3A_86 = tpu.memref_slice %arg4[%add3A_46, %dma_start3A_85] : memref<2560x128xi32, #tpu.memory_space<hbm>> -> memref<40x128xi32, #tpu.memory_space<hbm>>
        tpu.enqueue_dma source(%dma_start3A_86 : memref<40x128xi32, #tpu.memory_space<hbm>>) target(%arg8 : memref<40x128xi32, #tpu.memory_space<vmem>>) target_semaphore(%run_scoped3A_82 : memref<!tpu.dma_semaphore, #tpu.memory_space<semaphore_mem>>)
        %dma_wait3A_87 = arith.constant 0 : i32
        %dma_wait3A_88 = tpu.memref_slice %arg4[%add3A_46, %dma_wait3A_87] : memref<2560x128xi32, #tpu.memory_space<hbm>> -> memref<40x128xi32, #tpu.memory_space<hbm>>
        %dma_wait3A_89 = arith.constant 0 : i32
        %dma_wait3A_90 = tpu.memref_slice %arg4[%add3A_46, %dma_wait3A_89] : memref<2560x128xi32, #tpu.memory_space<hbm>> -> memref<40x128xi32, #tpu.memory_space<hbm>>
        tpu.wait_dma2 semaphore(%run_scoped3A_82 : memref<!tpu.dma_semaphore, #tpu.memory_space<semaphore_mem>>) src(%dma_wait3A_90 : memref<40x128xi32, #tpu.memory_space<hbm>>) dst(%arg8 : memref<40x128xi32, #tpu.memory_space<vmem>>)
        tpu.yield
      }) : () -> ()
      %dma_start3A = arith.constant 0 : i32
      %dma_start3A_47 = arith.constant 0 : i32
      %dma_start3A_48 = tpu.memref_slice %arg7[%dma_start3A, %dma_start3A_47] : memref<40x128xi32, #tpu.memory_space<vmem>> -> memref<1x128xi32, #tpu.memory_space<vmem>>
      %dma_start3A_49 = tpu.memref_squeeze %dma_start3A_48 : memref<1x128xi32, #tpu.memory_space<vmem>> -> memref<128xi32, #tpu.memory_space<vmem>>
      %dma_start3A_50 = arith.constant 0 : i32
      %dma_start3A_51 = arith.constant 0 : i32
      %dma_start3A_52 = tpu.memref_slice %arg2[%dma_start3A_50, %dma_start3A_51] : memref<10240x128xf32, #tpu.memory_space<hbm>> -> memref<10240x128xf32, #tpu.memory_space<hbm>>
      tpu.enqueue_indirect_dma source(%dma_start3A_52 : memref<10240x128xf32, #tpu.memory_space<hbm>>) target(%arg9 : memref<128x128xf32, #tpu.memory_space<vmem>>) offsets(%dma_start3A_49 : memref<128xi32, #tpu.memory_space<vmem>>) semaphore(%arg11 : memref<!tpu.dma_semaphore, #tpu.memory_space<semaphore_mem>>)
      %scan3A_53 = arith.constant 0 : i32
      %scan3A_54 = arith.constant 0 : i32
      %scan3A_55 = arith.constant 19 : i32
      %scan3A_56 = arith.addi %scan3A_54, %scan3A_55 : i32
      %scan3A_57 = arith.constant 1 : i32
      %scan3A_58 = scf.for %scan3A_82 = %scan3A_54 to %scan3A_56 step %scan3A_57 iter_args(%scan3A_83 = %scan3A_53) -> (i32)  : i32 {
        %mul3A_84 = arith.constant 2 : i32
        %mul3A_85 = arith.muli %mul3A_84, %scan3A_82 : i32
        %add3A_86 = arith.constant 1 : i32
        %add3A_87 = arith.addi %mul3A_85, %add3A_86 : i32
        %dma_start3A_88 = arith.constant 0 : i32
        %dma_start3A_89 = tpu.memref_slice %arg7[%add3A_87, %dma_start3A_88] : memref<40x128xi32, #tpu.memory_space<vmem>> -> memref<1x128xi32, #tpu.memory_space<vmem>>
        %dma_start3A_90 = tpu.memref_squeeze %dma_start3A_89 : memref<1x128xi32, #tpu.memory_space<vmem>> -> memref<128xi32, #tpu.memory_space<vmem>>
        %dma_start3A_91 = arith.constant 0 : i32
        %dma_start3A_92 = arith.constant 0 : i32
        %dma_start3A_93 = tpu.memref_slice %arg2[%dma_start3A_91, %dma_start3A_92] : memref<10240x128xf32, #tpu.memory_space<hbm>> -> memref<10240x128xf32, #tpu.memory_space<hbm>>
        tpu.enqueue_indirect_dma source(%dma_start3A_93 : memref<10240x128xf32, #tpu.memory_space<hbm>>) target(%arg10 : memref<128x128xf32, #tpu.memory_space<vmem>>) offsets(%dma_start3A_90 : memref<128xi32, #tpu.memory_space<vmem>>) semaphore(%arg12 : memref<!tpu.dma_semaphore, #tpu.memory_space<semaphore_mem>>)
        %dma_wait3A_94 = arith.constant 0 : i32
        %dma_wait3A_95 = tpu.memref_slice %arg7[%mul3A_85, %dma_wait3A_94] : memref<40x128xi32, #tpu.memory_space<vmem>> -> memref<1x128xi32, #tpu.memory_space<vmem>>
        %dma_wait3A_96 = tpu.memref_squeeze %dma_wait3A_95 : memref<1x128xi32, #tpu.memory_space<vmem>> -> memref<128xi32, #tpu.memory_space<vmem>>
        %dma_wait3A_97 = arith.constant 0 : i32
        %dma_wait3A_98 = arith.constant 0 : i32
        %dma_wait3A_99 = tpu.memref_slice %arg2[%dma_wait3A_97, %dma_wait3A_98] : memref<10240x128xf32, #tpu.memory_space<hbm>> -> memref<10240x128xf32, #tpu.memory_space<hbm>>
        tpu.wait_indirect_dma semaphore(%arg11 : memref<!tpu.dma_semaphore, #tpu.memory_space<semaphore_mem>>) src(%dma_wait3A_99 : memref<10240x128xf32, #tpu.memory_space<hbm>>) dst(%arg9 : memref<128x128xf32, #tpu.memory_space<vmem>>)
        "tpu.region"() ({
          %run_scoped3A_119 = tpu.sem_alloc : memref<!tpu.dma_semaphore, #tpu.memory_space<semaphore_mem>>
          %dma_start3A_120 = arith.constant 0 : i32
          %dma_start3A_121 = tpu.memref_slice %arg8[%mul3A_85, %dma_start3A_120] : memref<40x128xi32, #tpu.memory_space<vmem>> -> memref<1x128xi32, #tpu.memory_space<vmem>>
          %dma_start3A_122 = tpu.memref_squeeze %dma_start3A_121 : memref<1x128xi32, #tpu.memory_space<vmem>> -> memref<128xi32, #tpu.memory_space<vmem>>
          %dma_start3A_123 = arith.constant 0 : i32
          %dma_start3A_124 = arith.constant 0 : i32
          %dma_start3A_125 = tpu.memref_slice %arg6[%dma_start3A_123, %dma_start3A_124] : memref<10240x128xf32, #tpu.memory_space<vmem_shared>> -> memref<10240x128xf32, #tpu.memory_space<vmem_shared>>
          tpu.enqueue_indirect_dma source(%arg9 : memref<128x128xf32, #tpu.memory_space<vmem>>) target(%dma_start3A_125 : memref<10240x128xf32, #tpu.memory_space<vmem_shared>>) offsets(%dma_start3A_122 : memref<128xi32, #tpu.memory_space<vmem>>) semaphore(%run_scoped3A_119 : memref<!tpu.dma_semaphore, #tpu.memory_space<semaphore_mem>>) {add = true}
          %dma_wait3A_126 = arith.constant 0 : i32
          %dma_wait3A_127 = tpu.memref_slice %arg8[%mul3A_85, %dma_wait3A_126] : memref<40x128xi32, #tpu.memory_space<vmem>> -> memref<1x128xi32, #tpu.memory_space<vmem>>
          %dma_wait3A_128 = tpu.memref_squeeze %dma_wait3A_127 : memref<1x128xi32, #tpu.memory_space<vmem>> -> memref<128xi32, #tpu.memory_space<vmem>>
          %dma_wait3A_129 = arith.constant 0 : i32
          %dma_wait3A_130 = arith.constant 0 : i32
          %dma_wait3A_131 = tpu.memref_slice %arg6[%dma_wait3A_129, %dma_wait3A_130] : memref<10240x128xf32, #tpu.memory_space<vmem_shared>> -> memref<10240x128xf32, #tpu.memory_space<vmem_shared>>
          tpu.wait_indirect_dma semaphore(%run_scoped3A_119 : memref<!tpu.dma_semaphore, #tpu.memory_space<semaphore_mem>>) src(%arg9 : memref<128x128xf32, #tpu.memory_space<vmem>>) dst(%dma_wait3A_131 : memref<10240x128xf32, #tpu.memory_space<vmem_shared>>)
          tpu.yield
        }) : () -> ()
        %add3A_100 = arith.constant 2 : i32
        %add3A_101 = arith.addi %mul3A_85, %add3A_100 : i32
        %dma_start3A_102 = arith.constant 0 : i32
        %dma_start3A_103 = tpu.memref_slice %arg7[%add3A_101, %dma_start3A_102] : memref<40x128xi32, #tpu.memory_space<vmem>> -> memref<1x128xi32, #tpu.memory_space<vmem>>
        %dma_start3A_104 = tpu.memref_squeeze %dma_start3A_103 : memref<1x128xi32, #tpu.memory_space<vmem>> -> memref<128xi32, #tpu.memory_space<vmem>>
        %dma_start3A_105 = arith.constant 0 : i32
        %dma_start3A_106 = arith.constant 0 : i32
        %dma_start3A_107 = tpu.memref_slice %arg2[%dma_start3A_105, %dma_start3A_106] : memref<10240x128xf32, #tpu.memory_space<hbm>> -> memref<10240x128xf32, #tpu.memory_space<hbm>>
        tpu.enqueue_indirect_dma source(%dma_start3A_107 : memref<10240x128xf32, #tpu.memory_space<hbm>>) target(%arg9 : memref<128x128xf32, #tpu.memory_space<vmem>>) offsets(%dma_start3A_104 : memref<128xi32, #tpu.memory_space<vmem>>) semaphore(%arg11 : memref<!tpu.dma_semaphore, #tpu.memory_space<semaphore_mem>>)
        %add3A_108 = arith.constant 1 : i32
        %add3A_109 = arith.addi %mul3A_85, %add3A_108 : i32
        %dma_wait3A_110 = arith.constant 0 : i32
        %dma_wait3A_111 = tpu.memref_slice %arg7[%add3A_109, %dma_wait3A_110] : memref<40x128xi32, #tpu.memory_space<vmem>> -> memref<1x128xi32, #tpu.memory_space<vmem>>
        %dma_wait3A_112 = tpu.memref_squeeze %dma_wait3A_111 : memref<1x128xi32, #tpu.memory_space<vmem>> -> memref<128xi32, #tpu.memory_space<vmem>>
        %dma_wait3A_113 = arith.constant 0 : i32
        %dma_wait3A_114 = arith.constant 0 : i32
        %dma_wait3A_115 = tpu.memref_slice %arg2[%dma_wait3A_113, %dma_wait3A_114] : memref<10240x128xf32, #tpu.memory_space<hbm>> -> memref<10240x128xf32, #tpu.memory_space<hbm>>
        tpu.wait_indirect_dma semaphore(%arg12 : memref<!tpu.dma_semaphore, #tpu.memory_space<semaphore_mem>>) src(%dma_wait3A_115 : memref<10240x128xf32, #tpu.memory_space<hbm>>) dst(%arg10 : memref<128x128xf32, #tpu.memory_space<vmem>>)
        %add3A_116 = arith.constant 1 : i32
        %add3A_117 = arith.addi %mul3A_85, %add3A_116 : i32
        "tpu.region"() ({
          %run_scoped3A_119 = tpu.sem_alloc : memref<!tpu.dma_semaphore, #tpu.memory_space<semaphore_mem>>
          %dma_start3A_120 = arith.constant 0 : i32
          %dma_start3A_121 = tpu.memref_slice %arg8[%add3A_117, %dma_start3A_120] : memref<40x128xi32, #tpu.memory_space<vmem>> -> memref<1x128xi32, #tpu.memory_space<vmem>>
          %dma_start3A_122 = tpu.memref_squeeze %dma_start3A_121 : memref<1x128xi32, #tpu.memory_space<vmem>> -> memref<128xi32, #tpu.memory_space<vmem>>
          %dma_start3A_123 = arith.constant 0 : i32
          %dma_start3A_124 = arith.constant 0 : i32
          %dma_start3A_125 = tpu.memref_slice %arg6[%dma_start3A_123, %dma_start3A_124] : memref<10240x128xf32, #tpu.memory_space<vmem_shared>> -> memref<10240x128xf32, #tpu.memory_space<vmem_shared>>
          tpu.enqueue_indirect_dma source(%arg10 : memref<128x128xf32, #tpu.memory_space<vmem>>) target(%dma_start3A_125 : memref<10240x128xf32, #tpu.memory_space<vmem_shared>>) offsets(%dma_start3A_122 : memref<128xi32, #tpu.memory_space<vmem>>) semaphore(%run_scoped3A_119 : memref<!tpu.dma_semaphore, #tpu.memory_space<semaphore_mem>>) {add = true}
          %dma_wait3A_126 = arith.constant 0 : i32
          %dma_wait3A_127 = tpu.memref_slice %arg8[%add3A_117, %dma_wait3A_126] : memref<40x128xi32, #tpu.memory_space<vmem>> -> memref<1x128xi32, #tpu.memory_space<vmem>>
          %dma_wait3A_128 = tpu.memref_squeeze %dma_wait3A_127 : memref<1x128xi32, #tpu.memory_space<vmem>> -> memref<128xi32, #tpu.memory_space<vmem>>
          %dma_wait3A_129 = arith.constant 0 : i32
          %dma_wait3A_130 = arith.constant 0 : i32
          %dma_wait3A_131 = tpu.memref_slice %arg6[%dma_wait3A_129, %dma_wait3A_130] : memref<10240x128xf32, #tpu.memory_space<vmem_shared>> -> memref<10240x128xf32, #tpu.memory_space<vmem_shared>>
          tpu.wait_indirect_dma semaphore(%run_scoped3A_119 : memref<!tpu.dma_semaphore, #tpu.memory_space<semaphore_mem>>) src(%arg10 : memref<128x128xf32, #tpu.memory_space<vmem>>) dst(%dma_wait3A_131 : memref<10240x128xf32, #tpu.memory_space<vmem_shared>>)
          tpu.yield
        }) : () -> ()
        %scan3A_118 = arith.constant 0 : i32
        scf.yield %scan3A_118 : i32
      }
      %scan3A_59 = arith.constant 19 : i32
      %dma_start3A_60 = arith.constant 39 : i32
      %dma_start3A_61 = arith.constant 0 : i32
      %dma_start3A_62 = tpu.memref_slice %arg7[%dma_start3A_60, %dma_start3A_61] : memref<40x128xi32, #tpu.memory_space<vmem>> -> memref<1x128xi32, #tpu.memory_space<vmem>>
      %dma_start3A_63 = tpu.memref_squeeze %dma_start3A_62 : memref<1x128xi32, #tpu.memory_space<vmem>> -> memref<128xi32, #tpu.memory_space<vmem>>
      %dma_start3A_64 = arith.constant 0 : i32
      %dma_start3A_65 = arith.constant 0 : i32
      %dma_start3A_66 = tpu.memref_slice %arg2[%dma_start3A_64, %dma_start3A_65] : memref<10240x128xf32, #tpu.memory_space<hbm>> -> memref<10240x128xf32, #tpu.memory_space<hbm>>
      tpu.enqueue_indirect_dma source(%dma_start3A_66 : memref<10240x128xf32, #tpu.memory_space<hbm>>) target(%arg10 : memref<128x128xf32, #tpu.memory_space<vmem>>) offsets(%dma_start3A_63 : memref<128xi32, #tpu.memory_space<vmem>>) semaphore(%arg12 : memref<!tpu.dma_semaphore, #tpu.memory_space<semaphore_mem>>)
      %dma_wait3A = arith.constant 38 : i32
      %dma_wait3A_67 = arith.constant 0 : i32
      %dma_wait3A_68 = tpu.memref_slice %arg7[%dma_wait3A, %dma_wait3A_67] : memref<40x128xi32, #tpu.memory_space<vmem>> -> memref<1x128xi32, #tpu.memory_space<vmem>>
      %dma_wait3A_69 = tpu.memref_squeeze %dma_wait3A_68 : memref<1x128xi32, #tpu.memory_space<vmem>> -> memref<128xi32, #tpu.memory_space<vmem>>
      %dma_wait3A_70 = arith.constant 0 : i32
      %dma_wait3A_71 = arith.constant 0 : i32
      %dma_wait3A_72 = tpu.memref_slice %arg2[%dma_wait3A_70, %dma_wait3A_71] : memref<10240x128xf32, #tpu.memory_space<hbm>> -> memref<10240x128xf32, #tpu.memory_space<hbm>>
      tpu.wait_indirect_dma semaphore(%arg11 : memref<!tpu.dma_semaphore, #tpu.memory_space<semaphore_mem>>) src(%dma_wait3A_72 : memref<10240x128xf32, #tpu.memory_space<hbm>>) dst(%arg9 : memref<128x128xf32, #tpu.memory_space<vmem>>)
      %run_scoped3A = arith.constant 38 : i32
      "tpu.region"() ({
        %run_scoped3A_82 = tpu.sem_alloc : memref<!tpu.dma_semaphore, #tpu.memory_space<semaphore_mem>>
        %dma_start3A_83 = arith.constant 0 : i32
        %dma_start3A_84 = tpu.memref_slice %arg8[%run_scoped3A, %dma_start3A_83] : memref<40x128xi32, #tpu.memory_space<vmem>> -> memref<1x128xi32, #tpu.memory_space<vmem>>
        %dma_start3A_85 = tpu.memref_squeeze %dma_start3A_84 : memref<1x128xi32, #tpu.memory_space<vmem>> -> memref<128xi32, #tpu.memory_space<vmem>>
        %dma_start3A_86 = arith.constant 0 : i32
        %dma_start3A_87 = arith.constant 0 : i32
        %dma_start3A_88 = tpu.memref_slice %arg6[%dma_start3A_86, %dma_start3A_87] : memref<10240x128xf32, #tpu.memory_space<vmem_shared>> -> memref<10240x128xf32, #tpu.memory_space<vmem_shared>>
        tpu.enqueue_indirect_dma source(%arg9 : memref<128x128xf32, #tpu.memory_space<vmem>>) target(%dma_start3A_88 : memref<10240x128xf32, #tpu.memory_space<vmem_shared>>) offsets(%dma_start3A_85 : memref<128xi32, #tpu.memory_space<vmem>>) semaphore(%run_scoped3A_82 : memref<!tpu.dma_semaphore, #tpu.memory_space<semaphore_mem>>) {add = true}
        %dma_wait3A_89 = arith.constant 0 : i32
        %dma_wait3A_90 = tpu.memref_slice %arg8[%run_scoped3A, %dma_wait3A_89] : memref<40x128xi32, #tpu.memory_space<vmem>> -> memref<1x128xi32, #tpu.memory_space<vmem>>
        %dma_wait3A_91 = tpu.memref_squeeze %dma_wait3A_90 : memref<1x128xi32, #tpu.memory_space<vmem>> -> memref<128xi32, #tpu.memory_space<vmem>>
        %dma_wait3A_92 = arith.constant 0 : i32
        %dma_wait3A_93 = arith.constant 0 : i32
        %dma_wait3A_94 = tpu.memref_slice %arg6[%dma_wait3A_92, %dma_wait3A_93] : memref<10240x128xf32, #tpu.memory_space<vmem_shared>> -> memref<10240x128xf32, #tpu.memory_space<vmem_shared>>
        tpu.wait_indirect_dma semaphore(%run_scoped3A_82 : memref<!tpu.dma_semaphore, #tpu.memory_space<semaphore_mem>>) src(%arg9 : memref<128x128xf32, #tpu.memory_space<vmem>>) dst(%dma_wait3A_94 : memref<10240x128xf32, #tpu.memory_space<vmem_shared>>)
        tpu.yield
      }) : () -> ()
      %dma_wait3A_73 = arith.constant 39 : i32
      %dma_wait3A_74 = arith.constant 0 : i32
      %dma_wait3A_75 = tpu.memref_slice %arg7[%dma_wait3A_73, %dma_wait3A_74] : memref<40x128xi32, #tpu.memory_space<vmem>> -> memref<1x128xi32, #tpu.memory_space<vmem>>
      %dma_wait3A_76 = tpu.memref_squeeze %dma_wait3A_75 : memref<1x128xi32, #tpu.memory_space<vmem>> -> memref<128xi32, #tpu.memory_space<vmem>>
      %dma_wait3A_77 = arith.constant 0 : i32
      %dma_wait3A_78 = arith.constant 0 : i32
      %dma_wait3A_79 = tpu.memref_slice %arg2[%dma_wait3A_77, %dma_wait3A_78] : memref<10240x128xf32, #tpu.memory_space<hbm>> -> memref<10240x128xf32, #tpu.memory_space<hbm>>
      tpu.wait_indirect_dma semaphore(%arg12 : memref<!tpu.dma_semaphore, #tpu.memory_space<semaphore_mem>>) src(%dma_wait3A_79 : memref<10240x128xf32, #tpu.memory_space<hbm>>) dst(%arg10 : memref<128x128xf32, #tpu.memory_space<vmem>>)
      %run_scoped3A_80 = arith.constant 39 : i32
      "tpu.region"() ({
        %run_scoped3A_82 = tpu.sem_alloc : memref<!tpu.dma_semaphore, #tpu.memory_space<semaphore_mem>>
        %dma_start3A_83 = arith.constant 0 : i32
        %dma_start3A_84 = tpu.memref_slice %arg8[%run_scoped3A_80, %dma_start3A_83] : memref<40x128xi32, #tpu.memory_space<vmem>> -> memref<1x128xi32, #tpu.memory_space<vmem>>
        %dma_start3A_85 = tpu.memref_squeeze %dma_start3A_84 : memref<1x128xi32, #tpu.memory_space<vmem>> -> memref<128xi32, #tpu.memory_space<vmem>>
        %dma_start3A_86 = arith.constant 0 : i32
        %dma_start3A_87 = arith.constant 0 : i32
        %dma_start3A_88 = tpu.memref_slice %arg6[%dma_start3A_86, %dma_start3A_87] : memref<10240x128xf32, #tpu.memory_space<vmem_shared>> -> memref<10240x128xf32, #tpu.memory_space<vmem_shared>>
        tpu.enqueue_indirect_dma source(%arg10 : memref<128x128xf32, #tpu.memory_space<vmem>>) target(%dma_start3A_88 : memref<10240x128xf32, #tpu.memory_space<vmem_shared>>) offsets(%dma_start3A_85 : memref<128xi32, #tpu.memory_space<vmem>>) semaphore(%run_scoped3A_82 : memref<!tpu.dma_semaphore, #tpu.memory_space<semaphore_mem>>) {add = true}
        %dma_wait3A_89 = arith.constant 0 : i32
        %dma_wait3A_90 = tpu.memref_slice %arg8[%run_scoped3A_80, %dma_wait3A_89] : memref<40x128xi32, #tpu.memory_space<vmem>> -> memref<1x128xi32, #tpu.memory_space<vmem>>
        %dma_wait3A_91 = tpu.memref_squeeze %dma_wait3A_90 : memref<1x128xi32, #tpu.memory_space<vmem>> -> memref<128xi32, #tpu.memory_space<vmem>>
        %dma_wait3A_92 = arith.constant 0 : i32
        %dma_wait3A_93 = arith.constant 0 : i32
        %dma_wait3A_94 = tpu.memref_slice %arg6[%dma_wait3A_92, %dma_wait3A_93] : memref<10240x128xf32, #tpu.memory_space<vmem_shared>> -> memref<10240x128xf32, #tpu.memory_space<vmem_shared>>
        tpu.wait_indirect_dma semaphore(%run_scoped3A_82 : memref<!tpu.dma_semaphore, #tpu.memory_space<semaphore_mem>>) src(%arg10 : memref<128x128xf32, #tpu.memory_space<vmem>>) dst(%dma_wait3A_94 : memref<10240x128xf32, #tpu.memory_space<vmem_shared>>)
        tpu.yield
      }) : () -> ()
      %while3A_81 = arith.constant 0 : i32
      scf.yield %while3A_81 : i32
    }
    %barrier3A_41 = arith.constant 0 : index
    tpu.barrier barrier_id(%barrier3A_41)
    "tpu.region"() ({
      %run_scoped3A = tpu.sem_alloc : memref<!tpu.dma_semaphore, #tpu.memory_space<semaphore_mem>>
      %dma_start3A = arith.constant 0 : i32
      %dma_start3A_42 = tpu.memref_slice %arg5[%arg0, %mul3A_8, %dma_start3A] : memref<2x10240x128xf32, #tpu.memory_space<hbm>> -> memref<1x640x128xf32, #tpu.memory_space<hbm>>
      %dma_start3A_43 = tpu.memref_squeeze %dma_start3A_42 : memref<1x640x128xf32, #tpu.memory_space<hbm>> -> memref<640x128xf32, #tpu.memory_space<hbm>>
      %dma_start3A_44 = arith.constant 0 : i32
      %dma_start3A_45 = tpu.memref_slice %arg6[%mul3A_8, %dma_start3A_44] : memref<10240x128xf32, #tpu.memory_space<vmem_shared>> -> memref<640x128xf32, #tpu.memory_space<vmem_shared>>
      tpu.enqueue_dma source(%dma_start3A_45 : memref<640x128xf32, #tpu.memory_space<vmem_shared>>) target(%dma_start3A_43 : memref<640x128xf32, #tpu.memory_space<hbm>>) target_semaphore(%run_scoped3A : memref<!tpu.dma_semaphore, #tpu.memory_space<semaphore_mem>>)
      %dma_wait3A = arith.constant 0 : i32
      %dma_wait3A_46 = tpu.memref_slice %arg5[%arg0, %mul3A_8, %dma_wait3A] : memref<2x10240x128xf32, #tpu.memory_space<hbm>> -> memref<1x640x128xf32, #tpu.memory_space<hbm>>
      %dma_wait3A_47 = tpu.memref_squeeze %dma_wait3A_46 : memref<1x640x128xf32, #tpu.memory_space<hbm>> -> memref<640x128xf32, #tpu.memory_space<hbm>>
      %dma_wait3A_48 = arith.constant 0 : i32
      %dma_wait3A_49 = tpu.memref_slice %arg6[%mul3A_8, %dma_wait3A_48] : memref<10240x128xf32, #tpu.memory_space<vmem_shared>> -> memref<640x128xf32, #tpu.memory_space<vmem_shared>>
      tpu.wait_dma2 semaphore(%run_scoped3A : memref<!tpu.dma_semaphore, #tpu.memory_space<semaphore_mem>>) src(%dma_wait3A_49 : memref<640x128xf32, #tpu.memory_space<vmem_shared>>) dst(%dma_wait3A_47 : memref<640x128xf32, #tpu.memory_space<hbm>>)
      tpu.yield
    }) : () -> ()
    return
  }
}

#map = affine_map<(d0, d1) -> (0, 0)>
module attributes {stable_mosaic.version = 14 : i64} {
  func.func @_deg_call(%arg0: i32, %arg1: i32, %arg2: memref<2560x128xi32, #tpu.memory_space<hbm>>, %arg3: memref<2x10240xf32, #tpu.memory_space<hbm>>, %arg4: memref<10240xf32, #tpu.memory_space<vmem_shared>>, %arg5: memref<80x128xi32, #tpu.memory_space<vmem>>, %arg6: memref<128xf32, #tpu.memory_space<vmem>>, %arg7: memref<640xf32, #tpu.memory_space<vmem>>) attributes {dimension_semantics = [#tpu.dimension_semantics<core_parallel>, #tpu.dimension_semantics<subcore_parallel>], iteration_bounds = array<i64: 2, 16>, scalar_prefetch = 0 : i64, scratch_operands = 4 : i64, tpu.core_type = #tpu.core_type<sc_vector_subcore>, window_params = [{transform_indices = #map}, {transform_indices = #map}]} {
    %mul3A = arith.constant 16 : i32
    %mul3A_0 = arith.muli %arg0, %mul3A : i32
    %add3A = arith.addi %mul3A_0, %arg1 : i32
    %scan3A = arith.constant 0 : i32
    %scan3A_1 = arith.constant 0 : i32
    %scan3A_2 = arith.constant 8 : i32
    %scan3A_3 = arith.addi %scan3A_1, %scan3A_2 : i32
    %scan3A_4 = arith.constant 1 : i32
    %scan3A_5 = scf.for %scan3A_26 = %scan3A_1 to %scan3A_3 step %scan3A_4 iter_args(%scan3A_27 = %scan3A) -> (i32)  : i32 {
      %broadcast_in_dim3A = arith.constant 1.000000e+00 : f32
      %broadcast_in_dim3A_28 = vector.broadcast %broadcast_in_dim3A : f32 to vector<16xf32>
      %mul3A_29 = arith.constant 16 : i32
      %mul3A_30 = arith.muli %scan3A_26, %mul3A_29 : i32
      %swap3A = arith.index_cast %mul3A_30 : i32 to index
      %swap3A_31 = tpu.vector_load %arg6[%swap3A] {strides = array<i32>} : memref<128xf32, #tpu.memory_space<vmem>>, vector<16xf32>,
      %swap3A_32 = vector.shape_cast %swap3A_31 : vector<16xf32> to vector<16xf32>
      %swap3A_33 = vector.shape_cast %broadcast_in_dim3A_28 : vector<16xf32> to vector<16xf32>
      tpu.vector_store %arg6[%swap3A], %swap3A_33 {strides = array<i32>} : memref<128xf32, #tpu.memory_space<vmem>>, vector<16xf32>,
      %scan3A_34 = arith.constant 0 : i32
      scf.yield %scan3A_34 : i32
    }
    %scan3A_6 = arith.constant 8 : i32
    %scan3A_7 = arith.constant 0 : i32
    %scan3A_8 = arith.constant 0 : i32
    %scan3A_9 = arith.constant 40 : i32
    %scan3A_10 = arith.addi %scan3A_8, %scan3A_9 : i32
    %scan3A_11 = arith.constant 1 : i32
    %scan3A_12 = scf.for %scan3A_26 = %scan3A_8 to %scan3A_10 step %scan3A_11 iter_args(%scan3A_27 = %scan3A_7) -> (i32)  : i32 {
      %broadcast_in_dim3A = arith.constant 0.000000e+00 : f32
      %broadcast_in_dim3A_28 = vector.broadcast %broadcast_in_dim3A : f32 to vector<16xf32>
      %mul3A_29 = arith.constant 16 : i32
      %mul3A_30 = arith.muli %scan3A_26, %mul3A_29 : i32
      %swap3A = arith.index_cast %mul3A_30 : i32 to index
      %swap3A_31 = tpu.vector_load %arg7[%swap3A] {strides = array<i32>} : memref<640xf32, #tpu.memory_space<vmem>>, vector<16xf32>,
      %swap3A_32 = vector.shape_cast %swap3A_31 : vector<16xf32> to vector<16xf32>
      %swap3A_33 = vector.shape_cast %broadcast_in_dim3A_28 : vector<16xf32> to vector<16xf32>
      tpu.vector_store %arg7[%swap3A], %swap3A_33 {strides = array<i32>} : memref<640xf32, #tpu.memory_space<vmem>>, vector<16xf32>,
      %scan3A_34 = arith.constant 0 : i32
      scf.yield %scan3A_34 : i32
    }
    %scan3A_13 = arith.constant 40 : i32
    %mul3A_14 = arith.constant 640 : i32
    %mul3A_15 = arith.muli %arg1, %mul3A_14 : i32
    "tpu.region"() ({
      %run_scoped3A = tpu.sem_alloc : memref<!tpu.dma_semaphore, #tpu.memory_space<semaphore_mem>>
      %dma_start3A = tpu.memref_slice %arg4[%mul3A_15] : memref<10240xf32, #tpu.memory_space<vmem_shared>> -> memref<640xf32, #tpu.memory_space<vmem_shared>>
      %dma_start3A_26 = tpu.memref_slice %arg4[%mul3A_15] : memref<10240xf32, #tpu.memory_space<vmem_shared>> -> memref<640xf32, #tpu.memory_space<vmem_shared>>
      tpu.enqueue_dma source(%arg7 : memref<640xf32, #tpu.memory_space<vmem>>) target(%dma_start3A_26 : memref<640xf32, #tpu.memory_space<vmem_shared>>) target_semaphore(%run_scoped3A : memref<!tpu.dma_semaphore, #tpu.memory_space<semaphore_mem>>)
      %dma_wait3A = tpu.memref_slice %arg4[%mul3A_15] : memref<10240xf32, #tpu.memory_space<vmem_shared>> -> memref<640xf32, #tpu.memory_space<vmem_shared>>
      %dma_wait3A_27 = tpu.memref_slice %arg4[%mul3A_15] : memref<10240xf32, #tpu.memory_space<vmem_shared>> -> memref<640xf32, #tpu.memory_space<vmem_shared>>
      tpu.wait_dma2 semaphore(%run_scoped3A : memref<!tpu.dma_semaphore, #tpu.memory_space<semaphore_mem>>) src(%arg7 : memref<640xf32, #tpu.memory_space<vmem>>) dst(%dma_wait3A_27 : memref<640xf32, #tpu.memory_space<vmem_shared>>)
      tpu.yield
    }) : () -> ()
    %barrier3A = arith.constant 0 : index
    tpu.barrier barrier_id(%barrier3A)
    %mul3A_16 = arith.constant 80 : i32
    %mul3A_17 = arith.muli %add3A, %mul3A_16 : i32
    "tpu.region"() ({
      %run_scoped3A = tpu.sem_alloc : memref<!tpu.dma_semaphore, #tpu.memory_space<semaphore_mem>>
      %dma_start3A = arith.constant 0 : i32
      %dma_start3A_26 = tpu.memref_slice %arg2[%mul3A_17, %dma_start3A] : memref<2560x128xi32, #tpu.memory_space<hbm>> -> memref<80x128xi32, #tpu.memory_space<hbm>>
      %dma_start3A_27 = arith.constant 0 : i32
      %dma_start3A_28 = tpu.memref_slice %arg2[%mul3A_17, %dma_start3A_27] : memref<2560x128xi32, #tpu.memory_space<hbm>> -> memref<80x128xi32, #tpu.memory_space<hbm>>
      tpu.enqueue_dma source(%dma_start3A_28 : memref<80x128xi32, #tpu.memory_space<hbm>>) target(%arg5 : memref<80x128xi32, #tpu.memory_space<vmem>>) target_semaphore(%run_scoped3A : memref<!tpu.dma_semaphore, #tpu.memory_space<semaphore_mem>>)
      %dma_wait3A = arith.constant 0 : i32
      %dma_wait3A_29 = tpu.memref_slice %arg2[%mul3A_17, %dma_wait3A] : memref<2560x128xi32, #tpu.memory_space<hbm>> -> memref<80x128xi32, #tpu.memory_space<hbm>>
      %dma_wait3A_30 = arith.constant 0 : i32
      %dma_wait3A_31 = tpu.memref_slice %arg2[%mul3A_17, %dma_wait3A_30] : memref<2560x128xi32, #tpu.memory_space<hbm>> -> memref<80x128xi32, #tpu.memory_space<hbm>>
      tpu.wait_dma2 semaphore(%run_scoped3A : memref<!tpu.dma_semaphore, #tpu.memory_space<semaphore_mem>>) src(%dma_wait3A_31 : memref<80x128xi32, #tpu.memory_space<hbm>>) dst(%arg5 : memref<80x128xi32, #tpu.memory_space<vmem>>)
      tpu.yield
    }) : () -> ()
    %scan3A_18 = arith.constant 0 : i32
    %scan3A_19 = arith.constant 0 : i32
    %scan3A_20 = arith.constant 80 : i32
    %scan3A_21 = arith.addi %scan3A_19, %scan3A_20 : i32
    %scan3A_22 = arith.constant 1 : i32
    %scan3A_23 = scf.for %scan3A_26 = %scan3A_19 to %scan3A_21 step %scan3A_22 iter_args(%scan3A_27 = %scan3A_18) -> (i32)  : i32 {
      "tpu.region"() ({
        %run_scoped3A = tpu.sem_alloc : memref<!tpu.dma_semaphore, #tpu.memory_space<semaphore_mem>>
        %dma_start3A = arith.constant 0 : i32
        %dma_start3A_29 = tpu.memref_slice %arg5[%scan3A_26, %dma_start3A] : memref<80x128xi32, #tpu.memory_space<vmem>> -> memref<1x128xi32, #tpu.memory_space<vmem>>
        %dma_start3A_30 = tpu.memref_squeeze %dma_start3A_29 : memref<1x128xi32, #tpu.memory_space<vmem>> -> memref<128xi32, #tpu.memory_space<vmem>>
        %dma_start3A_31 = arith.constant 0 : i32
        %dma_start3A_32 = tpu.memref_slice %arg4[%dma_start3A_31] : memref<10240xf32, #tpu.memory_space<vmem_shared>> -> memref<10240xf32, #tpu.memory_space<vmem_shared>>
        tpu.enqueue_indirect_dma source(%arg6 : memref<128xf32, #tpu.memory_space<vmem>>) target(%dma_start3A_32 : memref<10240xf32, #tpu.memory_space<vmem_shared>>) offsets(%dma_start3A_30 : memref<128xi32, #tpu.memory_space<vmem>>) semaphore(%run_scoped3A : memref<!tpu.dma_semaphore, #tpu.memory_space<semaphore_mem>>) {add = true}
        %dma_wait3A = arith.constant 0 : i32
        %dma_wait3A_33 = tpu.memref_slice %arg5[%scan3A_26, %dma_wait3A] : memref<80x128xi32, #tpu.memory_space<vmem>> -> memref<1x128xi32, #tpu.memory_space<vmem>>
        %dma_wait3A_34 = tpu.memref_squeeze %dma_wait3A_33 : memref<1x128xi32, #tpu.memory_space<vmem>> -> memref<128xi32, #tpu.memory_space<vmem>>
        %dma_wait3A_35 = arith.constant 0 : i32
        %dma_wait3A_36 = tpu.memref_slice %arg4[%dma_wait3A_35] : memref<10240xf32, #tpu.memory_space<vmem_shared>> -> memref<10240xf32, #tpu.memory_space<vmem_shared>>
        tpu.wait_indirect_dma semaphore(%run_scoped3A : memref<!tpu.dma_semaphore, #tpu.memory_space<semaphore_mem>>) src(%arg6 : memref<128xf32, #tpu.memory_space<vmem>>) dst(%dma_wait3A_36 : memref<10240xf32, #tpu.memory_space<vmem_shared>>)
        tpu.yield
      }) : () -> ()
      %scan3A_28 = arith.constant 0 : i32
      scf.yield %scan3A_28 : i32
    }
    %scan3A_24 = arith.constant 80 : i32
    %barrier3A_25 = arith.constant 0 : index
    tpu.barrier barrier_id(%barrier3A_25)
    "tpu.region"() ({
      %run_scoped3A = tpu.sem_alloc : memref<!tpu.dma_semaphore, #tpu.memory_space<semaphore_mem>>
      %dma_start3A = tpu.memref_slice %arg3[%arg0, %mul3A_15] : memref<2x10240xf32, #tpu.memory_space<hbm>> -> memref<1x640xf32, #tpu.memory_space<hbm>>
      %dma_start3A_26 = tpu.memref_squeeze %dma_start3A : memref<1x640xf32, #tpu.memory_space<hbm>> -> memref<640xf32, #tpu.memory_space<hbm>>
      %dma_start3A_27 = tpu.memref_slice %arg4[%mul3A_15] : memref<10240xf32, #tpu.memory_space<vmem_shared>> -> memref<640xf32, #tpu.memory_space<vmem_shared>>
      tpu.enqueue_dma source(%dma_start3A_27 : memref<640xf32, #tpu.memory_space<vmem_shared>>) target(%dma_start3A_26 : memref<640xf32, #tpu.memory_space<hbm>>) target_semaphore(%run_scoped3A : memref<!tpu.dma_semaphore, #tpu.memory_space<semaphore_mem>>)
      %dma_wait3A = tpu.memref_slice %arg3[%arg0, %mul3A_15] : memref<2x10240xf32, #tpu.memory_space<hbm>> -> memref<1x640xf32, #tpu.memory_space<hbm>>
      %dma_wait3A_28 = tpu.memref_squeeze %dma_wait3A : memref<1x640xf32, #tpu.memory_space<hbm>> -> memref<640xf32, #tpu.memory_space<hbm>>
      %dma_wait3A_29 = tpu.memref_slice %arg4[%mul3A_15] : memref<10240xf32, #tpu.memory_space<vmem_shared>> -> memref<640xf32, #tpu.memory_space<vmem_shared>>
      tpu.wait_dma2 semaphore(%run_scoped3A : memref<!tpu.dma_semaphore, #tpu.memory_space<semaphore_mem>>) src(%dma_wait3A_29 : memref<640xf32, #tpu.memory_space<vmem_shared>>) dst(%dma_wait3A_28 : memref<640xf32, #tpu.memory_space<hbm>>)
      tpu.yield
    }) : () -> ()
    return
  }
}

#map = affine_map<(d0, d1) -> (0, 0)>
#map1 = affine_map<(d0, d1) -> (0, 0, 0)>
module attributes {stable_mosaic.version = 14 : i64} {
  func.func @_scat_call(%arg0: i32, %arg1: i32, %arg2: memref<10240x128xf32, #tpu.memory_space<hbm>>, %arg3: memref<2560x128xi32, #tpu.memory_space<hbm>>, %arg4: memref<2560x128xi32, #tpu.memory_space<hbm>>, %arg5: memref<2x10240x128xf32, #tpu.memory_space<hbm>>, %arg6: memref<10240x128xf32, #tpu.memory_space<vmem_shared>>, %arg7: memref<40x128xi32, #tpu.memory_space<vmem>>, %arg8: memref<40x128xi32, #tpu.memory_space<vmem>>, %arg9: memref<128x128xf32, #tpu.memory_space<vmem>>, %arg10: memref<128x128xf32, #tpu.memory_space<vmem>>, %arg11: memref<!tpu.dma_semaphore, #tpu.memory_space<semaphore_mem>>, %arg12: memref<!tpu.dma_semaphore, #tpu.memory_space<semaphore_mem>>) attributes {dimension_semantics = [#tpu.dimension_semantics<core_parallel>, #tpu.dimension_semantics<subcore_parallel>], iteration_bounds = array<i64: 2, 16>, scalar_prefetch = 0 : i64, scratch_operands = 7 : i64, tpu.core_type = #tpu.core_type<sc_vector_subcore>, window_params = [{transform_indices = #map}, {transform_indices = #map}, {transform_indices = #map}, {transform_indices = #map1}]} {
    %mul3A = arith.constant 16 : i32
    %mul3A_0 = arith.muli %arg0, %mul3A : i32
    %add3A = arith.addi %mul3A_0, %arg1 : i32
    %scan3A = arith.constant 0 : i32
    %scan3A_1 = arith.constant 0 : i32
    %scan3A_2 = arith.constant 128 : i32
    %scan3A_3 = arith.addi %scan3A_1, %scan3A_2 : i32
    %scan3A_4 = arith.constant 1 : i32
    %scan3A_5 = scf.for %scan3A_42 = %scan3A_1 to %scan3A_3 step %scan3A_4 iter_args(%scan3A_43 = %scan3A) -> (i32)  : i32 {
      %scan3A_44 = arith.constant 0 : i32
      %scan3A_45 = arith.constant 0 : i32
      %scan3A_46 = arith.constant 8 : i32
      %scan3A_47 = arith.addi %scan3A_45, %scan3A_46 : i32
      %scan3A_48 = arith.constant 1 : i32
      %scan3A_49 = scf.for %scan3A_51 = %scan3A_45 to %scan3A_47 step %scan3A_48 iter_args(%scan3A_52 = %scan3A_44) -> (i32)  : i32 {
        %broadcast_in_dim3A = arith.constant 0.000000e+00 : f32
        %broadcast_in_dim3A_53 = vector.broadcast %broadcast_in_dim3A : f32 to vector<16xf32>
        %mul3A_54 = arith.constant 16 : i32
        %mul3A_55 = arith.muli %scan3A_51, %mul3A_54 : i32
        %swap3A = arith.index_cast %scan3A_42 : i32 to index
        %swap3A_56 = arith.index_cast %mul3A_55 : i32 to index
        %swap3A_57 = tpu.vector_load %arg9[%swap3A, %swap3A_56] {strides = array<i32>} : memref<128x128xf32, #tpu.memory_space<vmem>>, vector<1x16xf32>,
        %swap3A_58 = vector.shape_cast %swap3A_57 : vector<1x16xf32> to vector<16xf32>
        %swap3A_59 = vector.shape_cast %broadcast_in_dim3A_53 : vector<16xf32> to vector<1x16xf32>
        tpu.vector_store %arg9[%swap3A, %swap3A_56], %swap3A_59 {strides = array<i32>} : memref<128x128xf32, #tpu.memory_space<vmem>>, vector<1x16xf32>,
        %scan3A_60 = arith.constant 0 : i32
        scf.yield %scan3A_60 : i32
      }
      %scan3A_50 = arith.constant 8 : i32
      scf.yield %scan3A_49 : i32
    }
    %scan3A_6 = arith.constant 128 : i32
    %mul3A_7 = arith.constant 640 : i32
    %mul3A_8 = arith.muli %arg1, %mul3A_7 : i32
    %add3A_9 = arith.constant 0 : i32
    %add3A_10 = arith.addi %mul3A_8, %add3A_9 : i32
    "tpu.region"() ({
      %run_scoped3A = tpu.sem_alloc : memref<!tpu.dma_semaphore, #tpu.memory_space<semaphore_mem>>
      %dma_start3A = arith.constant 0 : i32
      %dma_start3A_42 = tpu.memref_slice %arg6[%add3A_10, %dma_start3A] : memref<10240x128xf32, #tpu.memory_space<vmem_shared>> -> memref<128x128xf32, #tpu.memory_space<vmem_shared>>
      %dma_start3A_43 = arith.constant 0 : i32
      %dma_start3A_44 = tpu.memref_slice %arg6[%add3A_10, %dma_start3A_43] : memref<10240x128xf32, #tpu.memory_space<vmem_shared>> -> memref<128x128xf32, #tpu.memory_space<vmem_shared>>
      tpu.enqueue_dma source(%arg9 : memref<128x128xf32, #tpu.memory_space<vmem>>) target(%dma_start3A_44 : memref<128x128xf32, #tpu.memory_space<vmem_shared>>) target_semaphore(%run_scoped3A : memref<!tpu.dma_semaphore, #tpu.memory_space<semaphore_mem>>)
      %dma_wait3A = arith.constant 0 : i32
      %dma_wait3A_45 = tpu.memref_slice %arg6[%add3A_10, %dma_wait3A] : memref<10240x128xf32, #tpu.memory_space<vmem_shared>> -> memref<128x128xf32, #tpu.memory_space<vmem_shared>>
      %dma_wait3A_46 = arith.constant 0 : i32
      %dma_wait3A_47 = tpu.memref_slice %arg6[%add3A_10, %dma_wait3A_46] : memref<10240x128xf32, #tpu.memory_space<vmem_shared>> -> memref<128x128xf32, #tpu.memory_space<vmem_shared>>
      tpu.wait_dma2 semaphore(%run_scoped3A : memref<!tpu.dma_semaphore, #tpu.memory_space<semaphore_mem>>) src(%arg9 : memref<128x128xf32, #tpu.memory_space<vmem>>) dst(%dma_wait3A_47 : memref<128x128xf32, #tpu.memory_space<vmem_shared>>)
      tpu.yield
    }) : () -> ()
    %add3A_11 = arith.constant 128 : i32
    %add3A_12 = arith.addi %mul3A_8, %add3A_11 : i32
    "tpu.region"() ({
      %run_scoped3A = tpu.sem_alloc : memref<!tpu.dma_semaphore, #tpu.memory_space<semaphore_mem>>
      %dma_start3A = arith.constant 0 : i32
      %dma_start3A_42 = tpu.memref_slice %arg6[%add3A_12, %dma_start3A] : memref<10240x128xf32, #tpu.memory_space<vmem_shared>> -> memref<128x128xf32, #tpu.memory_space<vmem_shared>>
      %dma_start3A_43 = arith.constant 0 : i32
      %dma_start3A_44 = tpu.memref_slice %arg6[%add3A_12, %dma_start3A_43] : memref<10240x128xf32, #tpu.memory_space<vmem_shared>> -> memref<128x128xf32, #tpu.memory_space<vmem_shared>>
      tpu.enqueue_dma source(%arg9 : memref<128x128xf32, #tpu.memory_space<vmem>>) target(%dma_start3A_44 : memref<128x128xf32, #tpu.memory_space<vmem_shared>>) target_semaphore(%run_scoped3A : memref<!tpu.dma_semaphore, #tpu.memory_space<semaphore_mem>>)
      %dma_wait3A = arith.constant 0 : i32
      %dma_wait3A_45 = tpu.memref_slice %arg6[%add3A_12, %dma_wait3A] : memref<10240x128xf32, #tpu.memory_space<vmem_shared>> -> memref<128x128xf32, #tpu.memory_space<vmem_shared>>
      %dma_wait3A_46 = arith.constant 0 : i32
      %dma_wait3A_47 = tpu.memref_slice %arg6[%add3A_12, %dma_wait3A_46] : memref<10240x128xf32, #tpu.memory_space<vmem_shared>> -> memref<128x128xf32, #tpu.memory_space<vmem_shared>>
      tpu.wait_dma2 semaphore(%run_scoped3A : memref<!tpu.dma_semaphore, #tpu.memory_space<semaphore_mem>>) src(%arg9 : memref<128x128xf32, #tpu.memory_space<vmem>>) dst(%dma_wait3A_47 : memref<128x128xf32, #tpu.memory_space<vmem_shared>>)
      tpu.yield
    }) : () -> ()
    %add3A_13 = arith.constant 256 : i32
    %add3A_14 = arith.addi %mul3A_8, %add3A_13 : i32
    "tpu.region"() ({
      %run_scoped3A = tpu.sem_alloc : memref<!tpu.dma_semaphore, #tpu.memory_space<semaphore_mem>>
      %dma_start3A = arith.constant 0 : i32
      %dma_start3A_42 = tpu.memref_slice %arg6[%add3A_14, %dma_start3A] : memref<10240x128xf32, #tpu.memory_space<vmem_shared>> -> memref<128x128xf32, #tpu.memory_space<vmem_shared>>
      %dma_start3A_43 = arith.constant 0 : i32
      %dma_start3A_44 = tpu.memref_slice %arg6[%add3A_14, %dma_start3A_43] : memref<10240x128xf32, #tpu.memory_space<vmem_shared>> -> memref<128x128xf32, #tpu.memory_space<vmem_shared>>
      tpu.enqueue_dma source(%arg9 : memref<128x128xf32, #tpu.memory_space<vmem>>) target(%dma_start3A_44 : memref<128x128xf32, #tpu.memory_space<vmem_shared>>) target_semaphore(%run_scoped3A : memref<!tpu.dma_semaphore, #tpu.memory_space<semaphore_mem>>)
      %dma_wait3A = arith.constant 0 : i32
      %dma_wait3A_45 = tpu.memref_slice %arg6[%add3A_14, %dma_wait3A] : memref<10240x128xf32, #tpu.memory_space<vmem_shared>> -> memref<128x128xf32, #tpu.memory_space<vmem_shared>>
      %dma_wait3A_46 = arith.constant 0 : i32
      %dma_wait3A_47 = tpu.memref_slice %arg6[%add3A_14, %dma_wait3A_46] : memref<10240x128xf32, #tpu.memory_space<vmem_shared>> -> memref<128x128xf32, #tpu.memory_space<vmem_shared>>
      tpu.wait_dma2 semaphore(%run_scoped3A : memref<!tpu.dma_semaphore, #tpu.memory_space<semaphore_mem>>) src(%arg9 : memref<128x128xf32, #tpu.memory_space<vmem>>) dst(%dma_wait3A_47 : memref<128x128xf32, #tpu.memory_space<vmem_shared>>)
      tpu.yield
    }) : () -> ()
    %add3A_15 = arith.constant 384 : i32
    %add3A_16 = arith.addi %mul3A_8, %add3A_15 : i32
    "tpu.region"() ({
      %run_scoped3A = tpu.sem_alloc : memref<!tpu.dma_semaphore, #tpu.memory_space<semaphore_mem>>
      %dma_start3A = arith.constant 0 : i32
      %dma_start3A_42 = tpu.memref_slice %arg6[%add3A_16, %dma_start3A] : memref<10240x128xf32, #tpu.memory_space<vmem_shared>> -> memref<128x128xf32, #tpu.memory_space<vmem_shared>>
      %dma_start3A_43 = arith.constant 0 : i32
      %dma_start3A_44 = tpu.memref_slice %arg6[%add3A_16, %dma_start3A_43] : memref<10240x128xf32, #tpu.memory_space<vmem_shared>> -> memref<128x128xf32, #tpu.memory_space<vmem_shared>>
      tpu.enqueue_dma source(%arg9 : memref<128x128xf32, #tpu.memory_space<vmem>>) target(%dma_start3A_44 : memref<128x128xf32, #tpu.memory_space<vmem_shared>>) target_semaphore(%run_scoped3A : memref<!tpu.dma_semaphore, #tpu.memory_space<semaphore_mem>>)
      %dma_wait3A = arith.constant 0 : i32
      %dma_wait3A_45 = tpu.memref_slice %arg6[%add3A_16, %dma_wait3A] : memref<10240x128xf32, #tpu.memory_space<vmem_shared>> -> memref<128x128xf32, #tpu.memory_space<vmem_shared>>
      %dma_wait3A_46 = arith.constant 0 : i32
      %dma_wait3A_47 = tpu.memref_slice %arg6[%add3A_16, %dma_wait3A_46] : memref<10240x128xf32, #tpu.memory_space<vmem_shared>> -> memref<128x128xf32, #tpu.memory_space<vmem_shared>>
      tpu.wait_dma2 semaphore(%run_scoped3A : memref<!tpu.dma_semaphore, #tpu.memory_space<semaphore_mem>>) src(%arg9 : memref<128x128xf32, #tpu.memory_space<vmem>>) dst(%dma_wait3A_47 : memref<128x128xf32, #tpu.memory_space<vmem_shared>>)
      tpu.yield
    }) : () -> ()
    %add3A_17 = arith.constant 512 : i32
    %add3A_18 = arith.addi %mul3A_8, %add3A_17 : i32
    "tpu.region"() ({
      %run_scoped3A = tpu.sem_alloc : memref<!tpu.dma_semaphore, #tpu.memory_space<semaphore_mem>>
      %dma_start3A = arith.constant 0 : i32
      %dma_start3A_42 = tpu.memref_slice %arg6[%add3A_18, %dma_start3A] : memref<10240x128xf32, #tpu.memory_space<vmem_shared>> -> memref<128x128xf32, #tpu.memory_space<vmem_shared>>
      %dma_start3A_43 = arith.constant 0 : i32
      %dma_start3A_44 = tpu.memref_slice %arg6[%add3A_18, %dma_start3A_43] : memref<10240x128xf32, #tpu.memory_space<vmem_shared>> -> memref<128x128xf32, #tpu.memory_space<vmem_shared>>
      tpu.enqueue_dma source(%arg9 : memref<128x128xf32, #tpu.memory_space<vmem>>) target(%dma_start3A_44 : memref<128x128xf32, #tpu.memory_space<vmem_shared>>) target_semaphore(%run_scoped3A : memref<!tpu.dma_semaphore, #tpu.memory_space<semaphore_mem>>)
      %dma_wait3A = arith.constant 0 : i32
      %dma_wait3A_45 = tpu.memref_slice %arg6[%add3A_18, %dma_wait3A] : memref<10240x128xf32, #tpu.memory_space<vmem_shared>> -> memref<128x128xf32, #tpu.memory_space<vmem_shared>>
      %dma_wait3A_46 = arith.constant 0 : i32
      %dma_wait3A_47 = tpu.memref_slice %arg6[%add3A_18, %dma_wait3A_46] : memref<10240x128xf32, #tpu.memory_space<vmem_shared>> -> memref<128x128xf32, #tpu.memory_space<vmem_shared>>
      tpu.wait_dma2 semaphore(%run_scoped3A : memref<!tpu.dma_semaphore, #tpu.memory_space<semaphore_mem>>) src(%arg9 : memref<128x128xf32, #tpu.memory_space<vmem>>) dst(%dma_wait3A_47 : memref<128x128xf32, #tpu.memory_space<vmem_shared>>)
      tpu.yield
    }) : () -> ()
    %barrier3A = arith.constant 0 : index
    tpu.barrier barrier_id(%barrier3A)
    %eq3A = arith.constant 0 : i32
    %eq3A_19 = arith.cmpi eq, %arg0, %eq3A : i32
    %jit3A = arith.constant 3 : i32
    %jit3A_20 = arith.constant 1 : i32
    %select_n3A = arith.select %eq3A_19, %jit3A, %jit3A_20 : i32
    %eq3A_21 = arith.constant 0 : i32
    %eq3A_22 = arith.cmpi eq, %arg0, %eq3A_21 : i32
    %mul3A_23 = arith.constant 120 : i32
    %mul3A_24 = arith.muli %arg1, %mul3A_23 : i32
    %mul3A_25 = arith.constant 40 : i32
    %mul3A_26 = arith.muli %arg1, %mul3A_25 : i32
    %add3A_27 = arith.constant 1920 : i32
    %add3A_28 = arith.addi %add3A_27, %mul3A_26 : i32
    %select_n3A_29 = arith.select %eq3A_22, %mul3A_24, %add3A_28 : i32
    %while3A = arith.constant 0 : i32
    %while3A_30 = arith.constant 0 : i32
    %while3A_31 = arith.subi %select_n3A, %while3A : i32
    %while3A_32 = arith.addi %while3A, %while3A_31 : i32
    %while3A_33 = arith.constant 1 : i32
    %while3A_34 = arith.divsi %while3A_31, %while3A_33 : i32
    %while3A_35 = arith.muli %while3A_34, %while3A_33 : i32
    %while3A_36 = arith.addi %while3A, %while3A_35 : i32
    %while3A_37 = arith.constant 1 : i32
    %while3A_38 = scf.for %while3A_42 = %while3A to %while3A_36 step %while3A_37 iter_args(%while3A_43 = %while3A_30) -> (i32)  : i32 {
      %mul3A_44 = arith.constant 40 : i32
      %mul3A_45 = arith.muli %while3A_42, %mul3A_44 : i32
      %add3A_46 = arith.addi %select_n3A_29, %mul3A_45 : i32
      "tpu.region"() ({
        %run_scoped3A_82 = tpu.sem_alloc : memref<!tpu.dma_semaphore, #tpu.memory_space<semaphore_mem>>
        %dma_start3A_83 = arith.constant 0 : i32
        %dma_start3A_84 = tpu.memref_slice %arg3[%add3A_46, %dma_start3A_83] : memref<2560x128xi32, #tpu.memory_space<hbm>> -> memref<40x128xi32, #tpu.memory_space<hbm>>
        %dma_start3A_85 = arith.constant 0 : i32
        %dma_start3A_86 = tpu.memref_slice %arg3[%add3A_46, %dma_start3A_85] : memref<2560x128xi32, #tpu.memory_space<hbm>> -> memref<40x128xi32, #tpu.memory_space<hbm>>
        tpu.enqueue_dma source(%dma_start3A_86 : memref<40x128xi32, #tpu.memory_space<hbm>>) target(%arg7 : memref<40x128xi32, #tpu.memory_space<vmem>>) target_semaphore(%run_scoped3A_82 : memref<!tpu.dma_semaphore, #tpu.memory_space<semaphore_mem>>)
        %dma_wait3A_87 = arith.constant 0 : i32
        %dma_wait3A_88 = tpu.memref_slice %arg3[%add3A_46, %dma_wait3A_87] : memref<2560x128xi32, #tpu.memory_space<hbm>> -> memref<40x128xi32, #tpu.memory_space<hbm>>
        %dma_wait3A_89 = arith.constant 0 : i32
        %dma_wait3A_90 = tpu.memref_slice %arg3[%add3A_46, %dma_wait3A_89] : memref<2560x128xi32, #tpu.memory_space<hbm>> -> memref<40x128xi32, #tpu.memory_space<hbm>>
        tpu.wait_dma2 semaphore(%run_scoped3A_82 : memref<!tpu.dma_semaphore, #tpu.memory_space<semaphore_mem>>) src(%dma_wait3A_90 : memref<40x128xi32, #tpu.memory_space<hbm>>) dst(%arg7 : memref<40x128xi32, #tpu.memory_space<vmem>>)
        tpu.yield
      }) : () -> ()
      "tpu.region"() ({
        %run_scoped3A_82 = tpu.sem_alloc : memref<!tpu.dma_semaphore, #tpu.memory_space<semaphore_mem>>
        %dma_start3A_83 = arith.constant 0 : i32
        %dma_start3A_84 = tpu.memref_slice %arg4[%add3A_46, %dma_start3A_83] : memref<2560x128xi32, #tpu.memory_space<hbm>> -> memref<40x128xi32, #tpu.memory_space<hbm>>
        %dma_start3A_85 = arith.constant 0 : i32
        %dma_start3A_86 = tpu.memref_slice %arg4[%add3A_46, %dma_start3A_85] : memref<2560x128xi32, #tpu.memory_space<hbm>> -> memref<40x128xi32, #tpu.memory_space<hbm>>
        tpu.enqueue_dma source(%dma_start3A_86 : memref<40x128xi32, #tpu.memory_space<hbm>>) target(%arg8 : memref<40x128xi32, #tpu.memory_space<vmem>>) target_semaphore(%run_scoped3A_82 : memref<!tpu.dma_semaphore, #tpu.memory_space<semaphore_mem>>)
        %dma_wait3A_87 = arith.constant 0 : i32
        %dma_wait3A_88 = tpu.memref_slice %arg4[%add3A_46, %dma_wait3A_87] : memref<2560x128xi32, #tpu.memory_space<hbm>> -> memref<40x128xi32, #tpu.memory_space<hbm>>
        %dma_wait3A_89 = arith.constant 0 : i32
        %dma_wait3A_90 = tpu.memref_slice %arg4[%add3A_46, %dma_wait3A_89] : memref<2560x128xi32, #tpu.memory_space<hbm>> -> memref<40x128xi32, #tpu.memory_space<hbm>>
        tpu.wait_dma2 semaphore(%run_scoped3A_82 : memref<!tpu.dma_semaphore, #tpu.memory_space<semaphore_mem>>) src(%dma_wait3A_90 : memref<40x128xi32, #tpu.memory_space<hbm>>) dst(%arg8 : memref<40x128xi32, #tpu.memory_space<vmem>>)
        tpu.yield
      }) : () -> ()
      %dma_start3A = arith.constant 0 : i32
      %dma_start3A_47 = arith.constant 0 : i32
      %dma_start3A_48 = tpu.memref_slice %arg7[%dma_start3A, %dma_start3A_47] : memref<40x128xi32, #tpu.memory_space<vmem>> -> memref<1x128xi32, #tpu.memory_space<vmem>>
      %dma_start3A_49 = tpu.memref_squeeze %dma_start3A_48 : memref<1x128xi32, #tpu.memory_space<vmem>> -> memref<128xi32, #tpu.memory_space<vmem>>
      %dma_start3A_50 = arith.constant 0 : i32
      %dma_start3A_51 = arith.constant 0 : i32
      %dma_start3A_52 = tpu.memref_slice %arg2[%dma_start3A_50, %dma_start3A_51] : memref<10240x128xf32, #tpu.memory_space<hbm>> -> memref<10240x128xf32, #tpu.memory_space<hbm>>
      tpu.enqueue_indirect_dma source(%dma_start3A_52 : memref<10240x128xf32, #tpu.memory_space<hbm>>) target(%arg9 : memref<128x128xf32, #tpu.memory_space<vmem>>) offsets(%dma_start3A_49 : memref<128xi32, #tpu.memory_space<vmem>>) semaphore(%arg11 : memref<!tpu.dma_semaphore, #tpu.memory_space<semaphore_mem>>)
      %scan3A_53 = arith.constant 0 : i32
      %scan3A_54 = arith.constant 0 : i32
      %scan3A_55 = arith.constant 19 : i32
      %scan3A_56 = arith.addi %scan3A_54, %scan3A_55 : i32
      %scan3A_57 = arith.constant 1 : i32
      %scan3A_58 = scf.for %scan3A_82 = %scan3A_54 to %scan3A_56 step %scan3A_57 iter_args(%scan3A_83 = %scan3A_53) -> (i32)  : i32 {
        %mul3A_84 = arith.constant 2 : i32
        %mul3A_85 = arith.muli %mul3A_84, %scan3A_82 : i32
        %add3A_86 = arith.constant 1 : i32
        %add3A_87 = arith.addi %mul3A_85, %add3A_86 : i32
        %dma_start3A_88 = arith.constant 0 : i32
        %dma_start3A_89 = tpu.memref_slice %arg7[%add3A_87, %dma_start3A_88] : memref<40x128xi32, #tpu.memory_space<vmem>> -> memref<1x128xi32, #tpu.memory_space<vmem>>
        %dma_start3A_90 = tpu.memref_squeeze %dma_start3A_89 : memref<1x128xi32, #tpu.memory_space<vmem>> -> memref<128xi32, #tpu.memory_space<vmem>>
        %dma_start3A_91 = arith.constant 0 : i32
        %dma_start3A_92 = arith.constant 0 : i32
        %dma_start3A_93 = tpu.memref_slice %arg2[%dma_start3A_91, %dma_start3A_92] : memref<10240x128xf32, #tpu.memory_space<hbm>> -> memref<10240x128xf32, #tpu.memory_space<hbm>>
        tpu.enqueue_indirect_dma source(%dma_start3A_93 : memref<10240x128xf32, #tpu.memory_space<hbm>>) target(%arg10 : memref<128x128xf32, #tpu.memory_space<vmem>>) offsets(%dma_start3A_90 : memref<128xi32, #tpu.memory_space<vmem>>) semaphore(%arg12 : memref<!tpu.dma_semaphore, #tpu.memory_space<semaphore_mem>>)
        %dma_wait3A_94 = arith.constant 0 : i32
        %dma_wait3A_95 = tpu.memref_slice %arg7[%mul3A_85, %dma_wait3A_94] : memref<40x128xi32, #tpu.memory_space<vmem>> -> memref<1x128xi32, #tpu.memory_space<vmem>>
        %dma_wait3A_96 = tpu.memref_squeeze %dma_wait3A_95 : memref<1x128xi32, #tpu.memory_space<vmem>> -> memref<128xi32, #tpu.memory_space<vmem>>
        %dma_wait3A_97 = arith.constant 0 : i32
        %dma_wait3A_98 = arith.constant 0 : i32
        %dma_wait3A_99 = tpu.memref_slice %arg2[%dma_wait3A_97, %dma_wait3A_98] : memref<10240x128xf32, #tpu.memory_space<hbm>> -> memref<10240x128xf32, #tpu.memory_space<hbm>>
        tpu.wait_indirect_dma semaphore(%arg11 : memref<!tpu.dma_semaphore, #tpu.memory_space<semaphore_mem>>) src(%dma_wait3A_99 : memref<10240x128xf32, #tpu.memory_space<hbm>>) dst(%arg9 : memref<128x128xf32, #tpu.memory_space<vmem>>)
        "tpu.region"() ({
          %run_scoped3A_119 = tpu.sem_alloc : memref<!tpu.dma_semaphore, #tpu.memory_space<semaphore_mem>>
          %dma_start3A_120 = arith.constant 0 : i32
          %dma_start3A_121 = tpu.memref_slice %arg8[%mul3A_85, %dma_start3A_120] : memref<40x128xi32, #tpu.memory_space<vmem>> -> memref<1x128xi32, #tpu.memory_space<vmem>>
          %dma_start3A_122 = tpu.memref_squeeze %dma_start3A_121 : memref<1x128xi32, #tpu.memory_space<vmem>> -> memref<128xi32, #tpu.memory_space<vmem>>
          %dma_start3A_123 = arith.constant 0 : i32
          %dma_start3A_124 = arith.constant 0 : i32
          %dma_start3A_125 = tpu.memref_slice %arg6[%dma_start3A_123, %dma_start3A_124] : memref<10240x128xf32, #tpu.memory_space<vmem_shared>> -> memref<10240x128xf32, #tpu.memory_space<vmem_shared>>
          tpu.enqueue_indirect_dma source(%arg9 : memref<128x128xf32, #tpu.memory_space<vmem>>) target(%dma_start3A_125 : memref<10240x128xf32, #tpu.memory_space<vmem_shared>>) offsets(%dma_start3A_122 : memref<128xi32, #tpu.memory_space<vmem>>) semaphore(%run_scoped3A_119 : memref<!tpu.dma_semaphore, #tpu.memory_space<semaphore_mem>>) {add = true}
          %dma_wait3A_126 = arith.constant 0 : i32
          %dma_wait3A_127 = tpu.memref_slice %arg8[%mul3A_85, %dma_wait3A_126] : memref<40x128xi32, #tpu.memory_space<vmem>> -> memref<1x128xi32, #tpu.memory_space<vmem>>
          %dma_wait3A_128 = tpu.memref_squeeze %dma_wait3A_127 : memref<1x128xi32, #tpu.memory_space<vmem>> -> memref<128xi32, #tpu.memory_space<vmem>>
          %dma_wait3A_129 = arith.constant 0 : i32
          %dma_wait3A_130 = arith.constant 0 : i32
          %dma_wait3A_131 = tpu.memref_slice %arg6[%dma_wait3A_129, %dma_wait3A_130] : memref<10240x128xf32, #tpu.memory_space<vmem_shared>> -> memref<10240x128xf32, #tpu.memory_space<vmem_shared>>
          tpu.wait_indirect_dma semaphore(%run_scoped3A_119 : memref<!tpu.dma_semaphore, #tpu.memory_space<semaphore_mem>>) src(%arg9 : memref<128x128xf32, #tpu.memory_space<vmem>>) dst(%dma_wait3A_131 : memref<10240x128xf32, #tpu.memory_space<vmem_shared>>)
          tpu.yield
        }) : () -> ()
        %add3A_100 = arith.constant 2 : i32
        %add3A_101 = arith.addi %mul3A_85, %add3A_100 : i32
        %dma_start3A_102 = arith.constant 0 : i32
        %dma_start3A_103 = tpu.memref_slice %arg7[%add3A_101, %dma_start3A_102] : memref<40x128xi32, #tpu.memory_space<vmem>> -> memref<1x128xi32, #tpu.memory_space<vmem>>
        %dma_start3A_104 = tpu.memref_squeeze %dma_start3A_103 : memref<1x128xi32, #tpu.memory_space<vmem>> -> memref<128xi32, #tpu.memory_space<vmem>>
        %dma_start3A_105 = arith.constant 0 : i32
        %dma_start3A_106 = arith.constant 0 : i32
        %dma_start3A_107 = tpu.memref_slice %arg2[%dma_start3A_105, %dma_start3A_106] : memref<10240x128xf32, #tpu.memory_space<hbm>> -> memref<10240x128xf32, #tpu.memory_space<hbm>>
        tpu.enqueue_indirect_dma source(%dma_start3A_107 : memref<10240x128xf32, #tpu.memory_space<hbm>>) target(%arg9 : memref<128x128xf32, #tpu.memory_space<vmem>>) offsets(%dma_start3A_104 : memref<128xi32, #tpu.memory_space<vmem>>) semaphore(%arg11 : memref<!tpu.dma_semaphore, #tpu.memory_space<semaphore_mem>>)
        %add3A_108 = arith.constant 1 : i32
        %add3A_109 = arith.addi %mul3A_85, %add3A_108 : i32
        %dma_wait3A_110 = arith.constant 0 : i32
        %dma_wait3A_111 = tpu.memref_slice %arg7[%add3A_109, %dma_wait3A_110] : memref<40x128xi32, #tpu.memory_space<vmem>> -> memref<1x128xi32, #tpu.memory_space<vmem>>
        %dma_wait3A_112 = tpu.memref_squeeze %dma_wait3A_111 : memref<1x128xi32, #tpu.memory_space<vmem>> -> memref<128xi32, #tpu.memory_space<vmem>>
        %dma_wait3A_113 = arith.constant 0 : i32
        %dma_wait3A_114 = arith.constant 0 : i32
        %dma_wait3A_115 = tpu.memref_slice %arg2[%dma_wait3A_113, %dma_wait3A_114] : memref<10240x128xf32, #tpu.memory_space<hbm>> -> memref<10240x128xf32, #tpu.memory_space<hbm>>
        tpu.wait_indirect_dma semaphore(%arg12 : memref<!tpu.dma_semaphore, #tpu.memory_space<semaphore_mem>>) src(%dma_wait3A_115 : memref<10240x128xf32, #tpu.memory_space<hbm>>) dst(%arg10 : memref<128x128xf32, #tpu.memory_space<vmem>>)
        %add3A_116 = arith.constant 1 : i32
        %add3A_117 = arith.addi %mul3A_85, %add3A_116 : i32
        "tpu.region"() ({
          %run_scoped3A_119 = tpu.sem_alloc : memref<!tpu.dma_semaphore, #tpu.memory_space<semaphore_mem>>
          %dma_start3A_120 = arith.constant 0 : i32
          %dma_start3A_121 = tpu.memref_slice %arg8[%add3A_117, %dma_start3A_120] : memref<40x128xi32, #tpu.memory_space<vmem>> -> memref<1x128xi32, #tpu.memory_space<vmem>>
          %dma_start3A_122 = tpu.memref_squeeze %dma_start3A_121 : memref<1x128xi32, #tpu.memory_space<vmem>> -> memref<128xi32, #tpu.memory_space<vmem>>
          %dma_start3A_123 = arith.constant 0 : i32
          %dma_start3A_124 = arith.constant 0 : i32
          %dma_start3A_125 = tpu.memref_slice %arg6[%dma_start3A_123, %dma_start3A_124] : memref<10240x128xf32, #tpu.memory_space<vmem_shared>> -> memref<10240x128xf32, #tpu.memory_space<vmem_shared>>
          tpu.enqueue_indirect_dma source(%arg10 : memref<128x128xf32, #tpu.memory_space<vmem>>) target(%dma_start3A_125 : memref<10240x128xf32, #tpu.memory_space<vmem_shared>>) offsets(%dma_start3A_122 : memref<128xi32, #tpu.memory_space<vmem>>) semaphore(%run_scoped3A_119 : memref<!tpu.dma_semaphore, #tpu.memory_space<semaphore_mem>>) {add = true}
          %dma_wait3A_126 = arith.constant 0 : i32
          %dma_wait3A_127 = tpu.memref_slice %arg8[%add3A_117, %dma_wait3A_126] : memref<40x128xi32, #tpu.memory_space<vmem>> -> memref<1x128xi32, #tpu.memory_space<vmem>>
          %dma_wait3A_128 = tpu.memref_squeeze %dma_wait3A_127 : memref<1x128xi32, #tpu.memory_space<vmem>> -> memref<128xi32, #tpu.memory_space<vmem>>
          %dma_wait3A_129 = arith.constant 0 : i32
          %dma_wait3A_130 = arith.constant 0 : i32
          %dma_wait3A_131 = tpu.memref_slice %arg6[%dma_wait3A_129, %dma_wait3A_130] : memref<10240x128xf32, #tpu.memory_space<vmem_shared>> -> memref<10240x128xf32, #tpu.memory_space<vmem_shared>>
          tpu.wait_indirect_dma semaphore(%run_scoped3A_119 : memref<!tpu.dma_semaphore, #tpu.memory_space<semaphore_mem>>) src(%arg10 : memref<128x128xf32, #tpu.memory_space<vmem>>) dst(%dma_wait3A_131 : memref<10240x128xf32, #tpu.memory_space<vmem_shared>>)
          tpu.yield
        }) : () -> ()
        %scan3A_118 = arith.constant 0 : i32
        scf.yield %scan3A_118 : i32
      }
      %scan3A_59 = arith.constant 19 : i32
      %dma_start3A_60 = arith.constant 39 : i32
      %dma_start3A_61 = arith.constant 0 : i32
      %dma_start3A_62 = tpu.memref_slice %arg7[%dma_start3A_60, %dma_start3A_61] : memref<40x128xi32, #tpu.memory_space<vmem>> -> memref<1x128xi32, #tpu.memory_space<vmem>>
      %dma_start3A_63 = tpu.memref_squeeze %dma_start3A_62 : memref<1x128xi32, #tpu.memory_space<vmem>> -> memref<128xi32, #tpu.memory_space<vmem>>
      %dma_start3A_64 = arith.constant 0 : i32
      %dma_start3A_65 = arith.constant 0 : i32
      %dma_start3A_66 = tpu.memref_slice %arg2[%dma_start3A_64, %dma_start3A_65] : memref<10240x128xf32, #tpu.memory_space<hbm>> -> memref<10240x128xf32, #tpu.memory_space<hbm>>
      tpu.enqueue_indirect_dma source(%dma_start3A_66 : memref<10240x128xf32, #tpu.memory_space<hbm>>) target(%arg10 : memref<128x128xf32, #tpu.memory_space<vmem>>) offsets(%dma_start3A_63 : memref<128xi32, #tpu.memory_space<vmem>>) semaphore(%arg12 : memref<!tpu.dma_semaphore, #tpu.memory_space<semaphore_mem>>)
      %dma_wait3A = arith.constant 38 : i32
      %dma_wait3A_67 = arith.constant 0 : i32
      %dma_wait3A_68 = tpu.memref_slice %arg7[%dma_wait3A, %dma_wait3A_67] : memref<40x128xi32, #tpu.memory_space<vmem>> -> memref<1x128xi32, #tpu.memory_space<vmem>>
      %dma_wait3A_69 = tpu.memref_squeeze %dma_wait3A_68 : memref<1x128xi32, #tpu.memory_space<vmem>> -> memref<128xi32, #tpu.memory_space<vmem>>
      %dma_wait3A_70 = arith.constant 0 : i32
      %dma_wait3A_71 = arith.constant 0 : i32
      %dma_wait3A_72 = tpu.memref_slice %arg2[%dma_wait3A_70, %dma_wait3A_71] : memref<10240x128xf32, #tpu.memory_space<hbm>> -> memref<10240x128xf32, #tpu.memory_space<hbm>>
      tpu.wait_indirect_dma semaphore(%arg11 : memref<!tpu.dma_semaphore, #tpu.memory_space<semaphore_mem>>) src(%dma_wait3A_72 : memref<10240x128xf32, #tpu.memory_space<hbm>>) dst(%arg9 : memref<128x128xf32, #tpu.memory_space<vmem>>)
      %run_scoped3A = arith.constant 38 : i32
      "tpu.region"() ({
        %run_scoped3A_82 = tpu.sem_alloc : memref<!tpu.dma_semaphore, #tpu.memory_space<semaphore_mem>>
        %dma_start3A_83 = arith.constant 0 : i32
        %dma_start3A_84 = tpu.memref_slice %arg8[%run_scoped3A, %dma_start3A_83] : memref<40x128xi32, #tpu.memory_space<vmem>> -> memref<1x128xi32, #tpu.memory_space<vmem>>
        %dma_start3A_85 = tpu.memref_squeeze %dma_start3A_84 : memref<1x128xi32, #tpu.memory_space<vmem>> -> memref<128xi32, #tpu.memory_space<vmem>>
        %dma_start3A_86 = arith.constant 0 : i32
        %dma_start3A_87 = arith.constant 0 : i32
        %dma_start3A_88 = tpu.memref_slice %arg6[%dma_start3A_86, %dma_start3A_87] : memref<10240x128xf32, #tpu.memory_space<vmem_shared>> -> memref<10240x128xf32, #tpu.memory_space<vmem_shared>>
        tpu.enqueue_indirect_dma source(%arg9 : memref<128x128xf32, #tpu.memory_space<vmem>>) target(%dma_start3A_88 : memref<10240x128xf32, #tpu.memory_space<vmem_shared>>) offsets(%dma_start3A_85 : memref<128xi32, #tpu.memory_space<vmem>>) semaphore(%run_scoped3A_82 : memref<!tpu.dma_semaphore, #tpu.memory_space<semaphore_mem>>) {add = true}
        %dma_wait3A_89 = arith.constant 0 : i32
        %dma_wait3A_90 = tpu.memref_slice %arg8[%run_scoped3A, %dma_wait3A_89] : memref<40x128xi32, #tpu.memory_space<vmem>> -> memref<1x128xi32, #tpu.memory_space<vmem>>
        %dma_wait3A_91 = tpu.memref_squeeze %dma_wait3A_90 : memref<1x128xi32, #tpu.memory_space<vmem>> -> memref<128xi32, #tpu.memory_space<vmem>>
        %dma_wait3A_92 = arith.constant 0 : i32
        %dma_wait3A_93 = arith.constant 0 : i32
        %dma_wait3A_94 = tpu.memref_slice %arg6[%dma_wait3A_92, %dma_wait3A_93] : memref<10240x128xf32, #tpu.memory_space<vmem_shared>> -> memref<10240x128xf32, #tpu.memory_space<vmem_shared>>
        tpu.wait_indirect_dma semaphore(%run_scoped3A_82 : memref<!tpu.dma_semaphore, #tpu.memory_space<semaphore_mem>>) src(%arg9 : memref<128x128xf32, #tpu.memory_space<vmem>>) dst(%dma_wait3A_94 : memref<10240x128xf32, #tpu.memory_space<vmem_shared>>)
        tpu.yield
      }) : () -> ()
      %dma_wait3A_73 = arith.constant 39 : i32
      %dma_wait3A_74 = arith.constant 0 : i32
      %dma_wait3A_75 = tpu.memref_slice %arg7[%dma_wait3A_73, %dma_wait3A_74] : memref<40x128xi32, #tpu.memory_space<vmem>> -> memref<1x128xi32, #tpu.memory_space<vmem>>
      %dma_wait3A_76 = tpu.memref_squeeze %dma_wait3A_75 : memref<1x128xi32, #tpu.memory_space<vmem>> -> memref<128xi32, #tpu.memory_space<vmem>>
      %dma_wait3A_77 = arith.constant 0 : i32
      %dma_wait3A_78 = arith.constant 0 : i32
      %dma_wait3A_79 = tpu.memref_slice %arg2[%dma_wait3A_77, %dma_wait3A_78] : memref<10240x128xf32, #tpu.memory_space<hbm>> -> memref<10240x128xf32, #tpu.memory_space<hbm>>
      tpu.wait_indirect_dma semaphore(%arg12 : memref<!tpu.dma_semaphore, #tpu.memory_space<semaphore_mem>>) src(%dma_wait3A_79 : memref<10240x128xf32, #tpu.memory_space<hbm>>) dst(%arg10 : memref<128x128xf32, #tpu.memory_space<vmem>>)
      %run_scoped3A_80 = arith.constant 39 : i32
      "tpu.region"() ({
        %run_scoped3A_82 = tpu.sem_alloc : memref<!tpu.dma_semaphore, #tpu.memory_space<semaphore_mem>>
        %dma_start3A_83 = arith.constant 0 : i32
        %dma_start3A_84 = tpu.memref_slice %arg8[%run_scoped3A_80, %dma_start3A_83] : memref<40x128xi32, #tpu.memory_space<vmem>> -> memref<1x128xi32, #tpu.memory_space<vmem>>
        %dma_start3A_85 = tpu.memref_squeeze %dma_start3A_84 : memref<1x128xi32, #tpu.memory_space<vmem>> -> memref<128xi32, #tpu.memory_space<vmem>>
        %dma_start3A_86 = arith.constant 0 : i32
        %dma_start3A_87 = arith.constant 0 : i32
        %dma_start3A_88 = tpu.memref_slice %arg6[%dma_start3A_86, %dma_start3A_87] : memref<10240x128xf32, #tpu.memory_space<vmem_shared>> -> memref<10240x128xf32, #tpu.memory_space<vmem_shared>>
        tpu.enqueue_indirect_dma source(%arg10 : memref<128x128xf32, #tpu.memory_space<vmem>>) target(%dma_start3A_88 : memref<10240x128xf32, #tpu.memory_space<vmem_shared>>) offsets(%dma_start3A_85 : memref<128xi32, #tpu.memory_space<vmem>>) semaphore(%run_scoped3A_82 : memref<!tpu.dma_semaphore, #tpu.memory_space<semaphore_mem>>) {add = true}
        %dma_wait3A_89 = arith.constant 0 : i32
        %dma_wait3A_90 = tpu.memref_slice %arg8[%run_scoped3A_80, %dma_wait3A_89] : memref<40x128xi32, #tpu.memory_space<vmem>> -> memref<1x128xi32, #tpu.memory_space<vmem>>
        %dma_wait3A_91 = tpu.memref_squeeze %dma_wait3A_90 : memref<1x128xi32, #tpu.memory_space<vmem>> -> memref<128xi32, #tpu.memory_space<vmem>>
        %dma_wait3A_92 = arith.constant 0 : i32
        %dma_wait3A_93 = arith.constant 0 : i32
        %dma_wait3A_94 = tpu.memref_slice %arg6[%dma_wait3A_92, %dma_wait3A_93] : memref<10240x128xf32, #tpu.memory_space<vmem_shared>> -> memref<10240x128xf32, #tpu.memory_space<vmem_shared>>
        tpu.wait_indirect_dma semaphore(%run_scoped3A_82 : memref<!tpu.dma_semaphore, #tpu.memory_space<semaphore_mem>>) src(%arg10 : memref<128x128xf32, #tpu.memory_space<vmem>>) dst(%dma_wait3A_94 : memref<10240x128xf32, #tpu.memory_space<vmem_shared>>)
        tpu.yield
      }) : () -> ()
      %while3A_81 = arith.constant 0 : i32
      scf.yield %while3A_81 : i32
    }
    %while3A_39 = arith.constant 1 : i32
    %while3A_40 = scf.for %while3A_42 = %while3A_36 to %while3A_32 step %while3A_39 iter_args(%while3A_43 = %while3A_38) -> (i32)  : i32 {
      %mul3A_44 = arith.constant 40 : i32
      %mul3A_45 = arith.muli %while3A_42, %mul3A_44 : i32
      %add3A_46 = arith.addi %select_n3A_29, %mul3A_45 : i32
      "tpu.region"() ({
        %run_scoped3A_82 = tpu.sem_alloc : memref<!tpu.dma_semaphore, #tpu.memory_space<semaphore_mem>>
        %dma_start3A_83 = arith.constant 0 : i32
        %dma_start3A_84 = tpu.memref_slice %arg3[%add3A_46, %dma_start3A_83] : memref<2560x128xi32, #tpu.memory_space<hbm>> -> memref<40x128xi32, #tpu.memory_space<hbm>>
        %dma_start3A_85 = arith.constant 0 : i32
        %dma_start3A_86 = tpu.memref_slice %arg3[%add3A_46, %dma_start3A_85] : memref<2560x128xi32, #tpu.memory_space<hbm>> -> memref<40x128xi32, #tpu.memory_space<hbm>>
        tpu.enqueue_dma source(%dma_start3A_86 : memref<40x128xi32, #tpu.memory_space<hbm>>) target(%arg7 : memref<40x128xi32, #tpu.memory_space<vmem>>) target_semaphore(%run_scoped3A_82 : memref<!tpu.dma_semaphore, #tpu.memory_space<semaphore_mem>>)
        %dma_wait3A_87 = arith.constant 0 : i32
        %dma_wait3A_88 = tpu.memref_slice %arg3[%add3A_46, %dma_wait3A_87] : memref<2560x128xi32, #tpu.memory_space<hbm>> -> memref<40x128xi32, #tpu.memory_space<hbm>>
        %dma_wait3A_89 = arith.constant 0 : i32
        %dma_wait3A_90 = tpu.memref_slice %arg3[%add3A_46, %dma_wait3A_89] : memref<2560x128xi32, #tpu.memory_space<hbm>> -> memref<40x128xi32, #tpu.memory_space<hbm>>
        tpu.wait_dma2 semaphore(%run_scoped3A_82 : memref<!tpu.dma_semaphore, #tpu.memory_space<semaphore_mem>>) src(%dma_wait3A_90 : memref<40x128xi32, #tpu.memory_space<hbm>>) dst(%arg7 : memref<40x128xi32, #tpu.memory_space<vmem>>)
        tpu.yield
      }) : () -> ()
      "tpu.region"() ({
        %run_scoped3A_82 = tpu.sem_alloc : memref<!tpu.dma_semaphore, #tpu.memory_space<semaphore_mem>>
        %dma_start3A_83 = arith.constant 0 : i32
        %dma_start3A_84 = tpu.memref_slice %arg4[%add3A_46, %dma_start3A_83] : memref<2560x128xi32, #tpu.memory_space<hbm>> -> memref<40x128xi32, #tpu.memory_space<hbm>>
        %dma_start3A_85 = arith.constant 0 : i32
        %dma_start3A_86 = tpu.memref_slice %arg4[%add3A_46, %dma_start3A_85] : memref<2560x128xi32, #tpu.memory_space<hbm>> -> memref<40x128xi32, #tpu.memory_space<hbm>>
        tpu.enqueue_dma source(%dma_start3A_86 : memref<40x128xi32, #tpu.memory_space<hbm>>) target(%arg8 : memref<40x128xi32, #tpu.memory_space<vmem>>) target_semaphore(%run_scoped3A_82 : memref<!tpu.dma_semaphore, #tpu.memory_space<semaphore_mem>>)
        %dma_wait3A_87 = arith.constant 0 : i32
        %dma_wait3A_88 = tpu.memref_slice %arg4[%add3A_46, %dma_wait3A_87] : memref<2560x128xi32, #tpu.memory_space<hbm>> -> memref<40x128xi32, #tpu.memory_space<hbm>>
        %dma_wait3A_89 = arith.constant 0 : i32
        %dma_wait3A_90 = tpu.memref_slice %arg4[%add3A_46, %dma_wait3A_89] : memref<2560x128xi32, #tpu.memory_space<hbm>> -> memref<40x128xi32, #tpu.memory_space<hbm>>
        tpu.wait_dma2 semaphore(%run_scoped3A_82 : memref<!tpu.dma_semaphore, #tpu.memory_space<semaphore_mem>>) src(%dma_wait3A_90 : memref<40x128xi32, #tpu.memory_space<hbm>>) dst(%arg8 : memref<40x128xi32, #tpu.memory_space<vmem>>)
        tpu.yield
      }) : () -> ()
      %dma_start3A = arith.constant 0 : i32
      %dma_start3A_47 = arith.constant 0 : i32
      %dma_start3A_48 = tpu.memref_slice %arg7[%dma_start3A, %dma_start3A_47] : memref<40x128xi32, #tpu.memory_space<vmem>> -> memref<1x128xi32, #tpu.memory_space<vmem>>
      %dma_start3A_49 = tpu.memref_squeeze %dma_start3A_48 : memref<1x128xi32, #tpu.memory_space<vmem>> -> memref<128xi32, #tpu.memory_space<vmem>>
      %dma_start3A_50 = arith.constant 0 : i32
      %dma_start3A_51 = arith.constant 0 : i32
      %dma_start3A_52 = tpu.memref_slice %arg2[%dma_start3A_50, %dma_start3A_51] : memref<10240x128xf32, #tpu.memory_space<hbm>> -> memref<10240x128xf32, #tpu.memory_space<hbm>>
      tpu.enqueue_indirect_dma source(%dma_start3A_52 : memref<10240x128xf32, #tpu.memory_space<hbm>>) target(%arg9 : memref<128x128xf32, #tpu.memory_space<vmem>>) offsets(%dma_start3A_49 : memref<128xi32, #tpu.memory_space<vmem>>) semaphore(%arg11 : memref<!tpu.dma_semaphore, #tpu.memory_space<semaphore_mem>>)
      %scan3A_53 = arith.constant 0 : i32
      %scan3A_54 = arith.constant 0 : i32
      %scan3A_55 = arith.constant 19 : i32
      %scan3A_56 = arith.addi %scan3A_54, %scan3A_55 : i32
      %scan3A_57 = arith.constant 1 : i32
      %scan3A_58 = scf.for %scan3A_82 = %scan3A_54 to %scan3A_56 step %scan3A_57 iter_args(%scan3A_83 = %scan3A_53) -> (i32)  : i32 {
        %mul3A_84 = arith.constant 2 : i32
        %mul3A_85 = arith.muli %mul3A_84, %scan3A_82 : i32
        %add3A_86 = arith.constant 1 : i32
        %add3A_87 = arith.addi %mul3A_85, %add3A_86 : i32
        %dma_start3A_88 = arith.constant 0 : i32
        %dma_start3A_89 = tpu.memref_slice %arg7[%add3A_87, %dma_start3A_88] : memref<40x128xi32, #tpu.memory_space<vmem>> -> memref<1x128xi32, #tpu.memory_space<vmem>>
        %dma_start3A_90 = tpu.memref_squeeze %dma_start3A_89 : memref<1x128xi32, #tpu.memory_space<vmem>> -> memref<128xi32, #tpu.memory_space<vmem>>
        %dma_start3A_91 = arith.constant 0 : i32
        %dma_start3A_92 = arith.constant 0 : i32
        %dma_start3A_93 = tpu.memref_slice %arg2[%dma_start3A_91, %dma_start3A_92] : memref<10240x128xf32, #tpu.memory_space<hbm>> -> memref<10240x128xf32, #tpu.memory_space<hbm>>
        tpu.enqueue_indirect_dma source(%dma_start3A_93 : memref<10240x128xf32, #tpu.memory_space<hbm>>) target(%arg10 : memref<128x128xf32, #tpu.memory_space<vmem>>) offsets(%dma_start3A_90 : memref<128xi32, #tpu.memory_space<vmem>>) semaphore(%arg12 : memref<!tpu.dma_semaphore, #tpu.memory_space<semaphore_mem>>)
        %dma_wait3A_94 = arith.constant 0 : i32
        %dma_wait3A_95 = tpu.memref_slice %arg7[%mul3A_85, %dma_wait3A_94] : memref<40x128xi32, #tpu.memory_space<vmem>> -> memref<1x128xi32, #tpu.memory_space<vmem>>
        %dma_wait3A_96 = tpu.memref_squeeze %dma_wait3A_95 : memref<1x128xi32, #tpu.memory_space<vmem>> -> memref<128xi32, #tpu.memory_space<vmem>>
        %dma_wait3A_97 = arith.constant 0 : i32
        %dma_wait3A_98 = arith.constant 0 : i32
        %dma_wait3A_99 = tpu.memref_slice %arg2[%dma_wait3A_97, %dma_wait3A_98] : memref<10240x128xf32, #tpu.memory_space<hbm>> -> memref<10240x128xf32, #tpu.memory_space<hbm>>
        tpu.wait_indirect_dma semaphore(%arg11 : memref<!tpu.dma_semaphore, #tpu.memory_space<semaphore_mem>>) src(%dma_wait3A_99 : memref<10240x128xf32, #tpu.memory_space<hbm>>) dst(%arg9 : memref<128x128xf32, #tpu.memory_space<vmem>>)
        "tpu.region"() ({
          %run_scoped3A_119 = tpu.sem_alloc : memref<!tpu.dma_semaphore, #tpu.memory_space<semaphore_mem>>
          %dma_start3A_120 = arith.constant 0 : i32
          %dma_start3A_121 = tpu.memref_slice %arg8[%mul3A_85, %dma_start3A_120] : memref<40x128xi32, #tpu.memory_space<vmem>> -> memref<1x128xi32, #tpu.memory_space<vmem>>
          %dma_start3A_122 = tpu.memref_squeeze %dma_start3A_121 : memref<1x128xi32, #tpu.memory_space<vmem>> -> memref<128xi32, #tpu.memory_space<vmem>>
          %dma_start3A_123 = arith.constant 0 : i32
          %dma_start3A_124 = arith.constant 0 : i32
          %dma_start3A_125 = tpu.memref_slice %arg6[%dma_start3A_123, %dma_start3A_124] : memref<10240x128xf32, #tpu.memory_space<vmem_shared>> -> memref<10240x128xf32, #tpu.memory_space<vmem_shared>>
          tpu.enqueue_indirect_dma source(%arg9 : memref<128x128xf32, #tpu.memory_space<vmem>>) target(%dma_start3A_125 : memref<10240x128xf32, #tpu.memory_space<vmem_shared>>) offsets(%dma_start3A_122 : memref<128xi32, #tpu.memory_space<vmem>>) semaphore(%run_scoped3A_119 : memref<!tpu.dma_semaphore, #tpu.memory_space<semaphore_mem>>) {add = true}
          %dma_wait3A_126 = arith.constant 0 : i32
          %dma_wait3A_127 = tpu.memref_slice %arg8[%mul3A_85, %dma_wait3A_126] : memref<40x128xi32, #tpu.memory_space<vmem>> -> memref<1x128xi32, #tpu.memory_space<vmem>>
          %dma_wait3A_128 = tpu.memref_squeeze %dma_wait3A_127 : memref<1x128xi32, #tpu.memory_space<vmem>> -> memref<128xi32, #tpu.memory_space<vmem>>
          %dma_wait3A_129 = arith.constant 0 : i32
          %dma_wait3A_130 = arith.constant 0 : i32
          %dma_wait3A_131 = tpu.memref_slice %arg6[%dma_wait3A_129, %dma_wait3A_130] : memref<10240x128xf32, #tpu.memory_space<vmem_shared>> -> memref<10240x128xf32, #tpu.memory_space<vmem_shared>>
          tpu.wait_indirect_dma semaphore(%run_scoped3A_119 : memref<!tpu.dma_semaphore, #tpu.memory_space<semaphore_mem>>) src(%arg9 : memref<128x128xf32, #tpu.memory_space<vmem>>) dst(%dma_wait3A_131 : memref<10240x128xf32, #tpu.memory_space<vmem_shared>>)
          tpu.yield
        }) : () -> ()
        %add3A_100 = arith.constant 2 : i32
        %add3A_101 = arith.addi %mul3A_85, %add3A_100 : i32
        %dma_start3A_102 = arith.constant 0 : i32
        %dma_start3A_103 = tpu.memref_slice %arg7[%add3A_101, %dma_start3A_102] : memref<40x128xi32, #tpu.memory_space<vmem>> -> memref<1x128xi32, #tpu.memory_space<vmem>>
        %dma_start3A_104 = tpu.memref_squeeze %dma_start3A_103 : memref<1x128xi32, #tpu.memory_space<vmem>> -> memref<128xi32, #tpu.memory_space<vmem>>
        %dma_start3A_105 = arith.constant 0 : i32
        %dma_start3A_106 = arith.constant 0 : i32
        %dma_start3A_107 = tpu.memref_slice %arg2[%dma_start3A_105, %dma_start3A_106] : memref<10240x128xf32, #tpu.memory_space<hbm>> -> memref<10240x128xf32, #tpu.memory_space<hbm>>
        tpu.enqueue_indirect_dma source(%dma_start3A_107 : memref<10240x128xf32, #tpu.memory_space<hbm>>) target(%arg9 : memref<128x128xf32, #tpu.memory_space<vmem>>) offsets(%dma_start3A_104 : memref<128xi32, #tpu.memory_space<vmem>>) semaphore(%arg11 : memref<!tpu.dma_semaphore, #tpu.memory_space<semaphore_mem>>)
        %add3A_108 = arith.constant 1 : i32
        %add3A_109 = arith.addi %mul3A_85, %add3A_108 : i32
        %dma_wait3A_110 = arith.constant 0 : i32
        %dma_wait3A_111 = tpu.memref_slice %arg7[%add3A_109, %dma_wait3A_110] : memref<40x128xi32, #tpu.memory_space<vmem>> -> memref<1x128xi32, #tpu.memory_space<vmem>>
        %dma_wait3A_112 = tpu.memref_squeeze %dma_wait3A_111 : memref<1x128xi32, #tpu.memory_space<vmem>> -> memref<128xi32, #tpu.memory_space<vmem>>
        %dma_wait3A_113 = arith.constant 0 : i32
        %dma_wait3A_114 = arith.constant 0 : i32
        %dma_wait3A_115 = tpu.memref_slice %arg2[%dma_wait3A_113, %dma_wait3A_114] : memref<10240x128xf32, #tpu.memory_space<hbm>> -> memref<10240x128xf32, #tpu.memory_space<hbm>>
        tpu.wait_indirect_dma semaphore(%arg12 : memref<!tpu.dma_semaphore, #tpu.memory_space<semaphore_mem>>) src(%dma_wait3A_115 : memref<10240x128xf32, #tpu.memory_space<hbm>>) dst(%arg10 : memref<128x128xf32, #tpu.memory_space<vmem>>)
        %add3A_116 = arith.constant 1 : i32
        %add3A_117 = arith.addi %mul3A_85, %add3A_116 : i32
        "tpu.region"() ({
          %run_scoped3A_119 = tpu.sem_alloc : memref<!tpu.dma_semaphore, #tpu.memory_space<semaphore_mem>>
          %dma_start3A_120 = arith.constant 0 : i32
          %dma_start3A_121 = tpu.memref_slice %arg8[%add3A_117, %dma_start3A_120] : memref<40x128xi32, #tpu.memory_space<vmem>> -> memref<1x128xi32, #tpu.memory_space<vmem>>
          %dma_start3A_122 = tpu.memref_squeeze %dma_start3A_121 : memref<1x128xi32, #tpu.memory_space<vmem>> -> memref<128xi32, #tpu.memory_space<vmem>>
          %dma_start3A_123 = arith.constant 0 : i32
          %dma_start3A_124 = arith.constant 0 : i32
          %dma_start3A_125 = tpu.memref_slice %arg6[%dma_start3A_123, %dma_start3A_124] : memref<10240x128xf32, #tpu.memory_space<vmem_shared>> -> memref<10240x128xf32, #tpu.memory_space<vmem_shared>>
          tpu.enqueue_indirect_dma source(%arg10 : memref<128x128xf32, #tpu.memory_space<vmem>>) target(%dma_start3A_125 : memref<10240x128xf32, #tpu.memory_space<vmem_shared>>) offsets(%dma_start3A_122 : memref<128xi32, #tpu.memory_space<vmem>>) semaphore(%run_scoped3A_119 : memref<!tpu.dma_semaphore, #tpu.memory_space<semaphore_mem>>) {add = true}
          %dma_wait3A_126 = arith.constant 0 : i32
          %dma_wait3A_127 = tpu.memref_slice %arg8[%add3A_117, %dma_wait3A_126] : memref<40x128xi32, #tpu.memory_space<vmem>> -> memref<1x128xi32, #tpu.memory_space<vmem>>
          %dma_wait3A_128 = tpu.memref_squeeze %dma_wait3A_127 : memref<1x128xi32, #tpu.memory_space<vmem>> -> memref<128xi32, #tpu.memory_space<vmem>>
          %dma_wait3A_129 = arith.constant 0 : i32
          %dma_wait3A_130 = arith.constant 0 : i32
          %dma_wait3A_131 = tpu.memref_slice %arg6[%dma_wait3A_129, %dma_wait3A_130] : memref<10240x128xf32, #tpu.memory_space<vmem_shared>> -> memref<10240x128xf32, #tpu.memory_space<vmem_shared>>
          tpu.wait_indirect_dma semaphore(%run_scoped3A_119 : memref<!tpu.dma_semaphore, #tpu.memory_space<semaphore_mem>>) src(%arg10 : memref<128x128xf32, #tpu.memory_space<vmem>>) dst(%dma_wait3A_131 : memref<10240x128xf32, #tpu.memory_space<vmem_shared>>)
          tpu.yield
        }) : () -> ()
        %scan3A_118 = arith.constant 0 : i32
        scf.yield %scan3A_118 : i32
      }
      %scan3A_59 = arith.constant 19 : i32
      %dma_start3A_60 = arith.constant 39 : i32
      %dma_start3A_61 = arith.constant 0 : i32
      %dma_start3A_62 = tpu.memref_slice %arg7[%dma_start3A_60, %dma_start3A_61] : memref<40x128xi32, #tpu.memory_space<vmem>> -> memref<1x128xi32, #tpu.memory_space<vmem>>
      %dma_start3A_63 = tpu.memref_squeeze %dma_start3A_62 : memref<1x128xi32, #tpu.memory_space<vmem>> -> memref<128xi32, #tpu.memory_space<vmem>>
      %dma_start3A_64 = arith.constant 0 : i32
      %dma_start3A_65 = arith.constant 0 : i32
      %dma_start3A_66 = tpu.memref_slice %arg2[%dma_start3A_64, %dma_start3A_65] : memref<10240x128xf32, #tpu.memory_space<hbm>> -> memref<10240x128xf32, #tpu.memory_space<hbm>>
      tpu.enqueue_indirect_dma source(%dma_start3A_66 : memref<10240x128xf32, #tpu.memory_space<hbm>>) target(%arg10 : memref<128x128xf32, #tpu.memory_space<vmem>>) offsets(%dma_start3A_63 : memref<128xi32, #tpu.memory_space<vmem>>) semaphore(%arg12 : memref<!tpu.dma_semaphore, #tpu.memory_space<semaphore_mem>>)
      %dma_wait3A = arith.constant 38 : i32
      %dma_wait3A_67 = arith.constant 0 : i32
      %dma_wait3A_68 = tpu.memref_slice %arg7[%dma_wait3A, %dma_wait3A_67] : memref<40x128xi32, #tpu.memory_space<vmem>> -> memref<1x128xi32, #tpu.memory_space<vmem>>
      %dma_wait3A_69 = tpu.memref_squeeze %dma_wait3A_68 : memref<1x128xi32, #tpu.memory_space<vmem>> -> memref<128xi32, #tpu.memory_space<vmem>>
      %dma_wait3A_70 = arith.constant 0 : i32
      %dma_wait3A_71 = arith.constant 0 : i32
      %dma_wait3A_72 = tpu.memref_slice %arg2[%dma_wait3A_70, %dma_wait3A_71] : memref<10240x128xf32, #tpu.memory_space<hbm>> -> memref<10240x128xf32, #tpu.memory_space<hbm>>
      tpu.wait_indirect_dma semaphore(%arg11 : memref<!tpu.dma_semaphore, #tpu.memory_space<semaphore_mem>>) src(%dma_wait3A_72 : memref<10240x128xf32, #tpu.memory_space<hbm>>) dst(%arg9 : memref<128x128xf32, #tpu.memory_space<vmem>>)
      %run_scoped3A = arith.constant 38 : i32
      "tpu.region"() ({
        %run_scoped3A_82 = tpu.sem_alloc : memref<!tpu.dma_semaphore, #tpu.memory_space<semaphore_mem>>
        %dma_start3A_83 = arith.constant 0 : i32
        %dma_start3A_84 = tpu.memref_slice %arg8[%run_scoped3A, %dma_start3A_83] : memref<40x128xi32, #tpu.memory_space<vmem>> -> memref<1x128xi32, #tpu.memory_space<vmem>>
        %dma_start3A_85 = tpu.memref_squeeze %dma_start3A_84 : memref<1x128xi32, #tpu.memory_space<vmem>> -> memref<128xi32, #tpu.memory_space<vmem>>
        %dma_start3A_86 = arith.constant 0 : i32
        %dma_start3A_87 = arith.constant 0 : i32
        %dma_start3A_88 = tpu.memref_slice %arg6[%dma_start3A_86, %dma_start3A_87] : memref<10240x128xf32, #tpu.memory_space<vmem_shared>> -> memref<10240x128xf32, #tpu.memory_space<vmem_shared>>
        tpu.enqueue_indirect_dma source(%arg9 : memref<128x128xf32, #tpu.memory_space<vmem>>) target(%dma_start3A_88 : memref<10240x128xf32, #tpu.memory_space<vmem_shared>>) offsets(%dma_start3A_85 : memref<128xi32, #tpu.memory_space<vmem>>) semaphore(%run_scoped3A_82 : memref<!tpu.dma_semaphore, #tpu.memory_space<semaphore_mem>>) {add = true}
        %dma_wait3A_89 = arith.constant 0 : i32
        %dma_wait3A_90 = tpu.memref_slice %arg8[%run_scoped3A, %dma_wait3A_89] : memref<40x128xi32, #tpu.memory_space<vmem>> -> memref<1x128xi32, #tpu.memory_space<vmem>>
        %dma_wait3A_91 = tpu.memref_squeeze %dma_wait3A_90 : memref<1x128xi32, #tpu.memory_space<vmem>> -> memref<128xi32, #tpu.memory_space<vmem>>
        %dma_wait3A_92 = arith.constant 0 : i32
        %dma_wait3A_93 = arith.constant 0 : i32
        %dma_wait3A_94 = tpu.memref_slice %arg6[%dma_wait3A_92, %dma_wait3A_93] : memref<10240x128xf32, #tpu.memory_space<vmem_shared>> -> memref<10240x128xf32, #tpu.memory_space<vmem_shared>>
        tpu.wait_indirect_dma semaphore(%run_scoped3A_82 : memref<!tpu.dma_semaphore, #tpu.memory_space<semaphore_mem>>) src(%arg9 : memref<128x128xf32, #tpu.memory_space<vmem>>) dst(%dma_wait3A_94 : memref<10240x128xf32, #tpu.memory_space<vmem_shared>>)
        tpu.yield
      }) : () -> ()
      %dma_wait3A_73 = arith.constant 39 : i32
      %dma_wait3A_74 = arith.constant 0 : i32
      %dma_wait3A_75 = tpu.memref_slice %arg7[%dma_wait3A_73, %dma_wait3A_74] : memref<40x128xi32, #tpu.memory_space<vmem>> -> memref<1x128xi32, #tpu.memory_space<vmem>>
      %dma_wait3A_76 = tpu.memref_squeeze %dma_wait3A_75 : memref<1x128xi32, #tpu.memory_space<vmem>> -> memref<128xi32, #tpu.memory_space<vmem>>
      %dma_wait3A_77 = arith.constant 0 : i32
      %dma_wait3A_78 = arith.constant 0 : i32
      %dma_wait3A_79 = tpu.memref_slice %arg2[%dma_wait3A_77, %dma_wait3A_78] : memref<10240x128xf32, #tpu.memory_space<hbm>> -> memref<10240x128xf32, #tpu.memory_space<hbm>>
      tpu.wait_indirect_dma semaphore(%arg12 : memref<!tpu.dma_semaphore, #tpu.memory_space<semaphore_mem>>) src(%dma_wait3A_79 : memref<10240x128xf32, #tpu.memory_space<hbm>>) dst(%arg10 : memref<128x128xf32, #tpu.memory_space<vmem>>)
      %run_scoped3A_80 = arith.constant 39 : i32
      "tpu.region"() ({
        %run_scoped3A_82 = tpu.sem_alloc : memref<!tpu.dma_semaphore, #tpu.memory_space<semaphore_mem>>
        %dma_start3A_83 = arith.constant 0 : i32
        %dma_start3A_84 = tpu.memref_slice %arg8[%run_scoped3A_80, %dma_start3A_83] : memref<40x128xi32, #tpu.memory_space<vmem>> -> memref<1x128xi32, #tpu.memory_space<vmem>>
        %dma_start3A_85 = tpu.memref_squeeze %dma_start3A_84 : memref<1x128xi32, #tpu.memory_space<vmem>> -> memref<128xi32, #tpu.memory_space<vmem>>
        %dma_start3A_86 = arith.constant 0 : i32
        %dma_start3A_87 = arith.constant 0 : i32
        %dma_start3A_88 = tpu.memref_slice %arg6[%dma_start3A_86, %dma_start3A_87] : memref<10240x128xf32, #tpu.memory_space<vmem_shared>> -> memref<10240x128xf32, #tpu.memory_space<vmem_shared>>
        tpu.enqueue_indirect_dma source(%arg10 : memref<128x128xf32, #tpu.memory_space<vmem>>) target(%dma_start3A_88 : memref<10240x128xf32, #tpu.memory_space<vmem_shared>>) offsets(%dma_start3A_85 : memref<128xi32, #tpu.memory_space<vmem>>) semaphore(%run_scoped3A_82 : memref<!tpu.dma_semaphore, #tpu.memory_space<semaphore_mem>>) {add = true}
        %dma_wait3A_89 = arith.constant 0 : i32
        %dma_wait3A_90 = tpu.memref_slice %arg8[%run_scoped3A_80, %dma_wait3A_89] : memref<40x128xi32, #tpu.memory_space<vmem>> -> memref<1x128xi32, #tpu.memory_space<vmem>>
        %dma_wait3A_91 = tpu.memref_squeeze %dma_wait3A_90 : memref<1x128xi32, #tpu.memory_space<vmem>> -> memref<128xi32, #tpu.memory_space<vmem>>
        %dma_wait3A_92 = arith.constant 0 : i32
        %dma_wait3A_93 = arith.constant 0 : i32
        %dma_wait3A_94 = tpu.memref_slice %arg6[%dma_wait3A_92, %dma_wait3A_93] : memref<10240x128xf32, #tpu.memory_space<vmem_shared>> -> memref<10240x128xf32, #tpu.memory_space<vmem_shared>>
        tpu.wait_indirect_dma semaphore(%run_scoped3A_82 : memref<!tpu.dma_semaphore, #tpu.memory_space<semaphore_mem>>) src(%arg10 : memref<128x128xf32, #tpu.memory_space<vmem>>) dst(%dma_wait3A_94 : memref<10240x128xf32, #tpu.memory_space<vmem_shared>>)
        tpu.yield
      }) : () -> ()
      %while3A_81 = arith.constant 0 : i32
      scf.yield %while3A_81 : i32
    }
    %barrier3A_41 = arith.constant 0 : index
    tpu.barrier barrier_id(%barrier3A_41)
    "tpu.region"() ({
      %run_scoped3A = tpu.sem_alloc : memref<!tpu.dma_semaphore, #tpu.memory_space<semaphore_mem>>
      %dma_start3A = arith.constant 0 : i32
      %dma_start3A_42 = tpu.memref_slice %arg5[%arg0, %mul3A_8, %dma_start3A] : memref<2x10240x128xf32, #tpu.memory_space<hbm>> -> memref<1x640x128xf32, #tpu.memory_space<hbm>>
      %dma_start3A_43 = tpu.memref_squeeze %dma_start3A_42 : memref<1x640x128xf32, #tpu.memory_space<hbm>> -> memref<640x128xf32, #tpu.memory_space<hbm>>
      %dma_start3A_44 = arith.constant 0 : i32
      %dma_start3A_45 = tpu.memref_slice %arg6[%mul3A_8, %dma_start3A_44] : memref<10240x128xf32, #tpu.memory_space<vmem_shared>> -> memref<640x128xf32, #tpu.memory_space<vmem_shared>>
      tpu.enqueue_dma source(%dma_start3A_45 : memref<640x128xf32, #tpu.memory_space<vmem_shared>>) target(%dma_start3A_43 : memref<640x128xf32, #tpu.memory_space<hbm>>) target_semaphore(%run_scoped3A : memref<!tpu.dma_semaphore, #tpu.memory_space<semaphore_mem>>)
      %dma_wait3A = arith.constant 0 : i32
      %dma_wait3A_46 = tpu.memref_slice %arg5[%arg0, %mul3A_8, %dma_wait3A] : memref<2x10240x128xf32, #tpu.memory_space<hbm>> -> memref<1x640x128xf32, #tpu.memory_space<hbm>>
      %dma_wait3A_47 = tpu.memref_squeeze %dma_wait3A_46 : memref<1x640x128xf32, #tpu.memory_space<hbm>> -> memref<640x128xf32, #tpu.memory_space<hbm>>
      %dma_wait3A_48 = arith.constant 0 : i32
      %dma_wait3A_49 = tpu.memref_slice %arg6[%mul3A_8, %dma_wait3A_48] : memref<10240x128xf32, #tpu.memory_space<vmem_shared>> -> memref<640x128xf32, #tpu.memory_space<vmem_shared>>
      tpu.wait_dma2 semaphore(%run_scoped3A : memref<!tpu.dma_semaphore, #tpu.memory_space<semaphore_mem>>) src(%dma_wait3A_49 : memref<640x128xf32, #tpu.memory_space<vmem_shared>>) dst(%dma_wait3A_47 : memref<640x128xf32, #tpu.memory_space<hbm>>)
      tpu.yield
    }) : () -> ()
    return
  }
}

module attributes {stable_mosaic.version = 14 : i64} {
  func.func @body(%arg0: i32, %arg1: memref<2000x128xf32, #tpu.memory_space<vmem>>, %arg2: memref<128x128xf32, #tpu.memory_space<vmem>>, %arg3: memref<2000x1xf32, #tpu.memory_space<vmem>>, %arg4: memref<2000x1xf32, #tpu.memory_space<vmem>>, %arg5: memref<2000x128xf32, #tpu.memory_space<vmem>>, %arg6: memref<2000x1xf32, #tpu.memory_space<vmem>>) attributes {dimension_semantics = [#tpu.dimension_semantics<arbitrary>], iteration_bounds = array<i64: 5>, scalar_prefetch = 0 : i64, scratch_operands = 0 : i64, tpu.core_type = #tpu.core_type<tc>, window_params = [{transform_indices = @transform_0, window_bounds = array<i64: 2000, 128>}, {pipeline_mode = #tpu.pipeline_mode<synchronous>, transform_indices = @transform_1, window_bounds = array<i64: 128, 128>}, {transform_indices = @transform_2, window_bounds = array<i64: 2000, 1>}, {transform_indices = @transform_3, window_bounds = array<i64: 2000, 1>}, {transform_indices = @transform_4, window_bounds = array<i64: 2000, 128>}, {transform_indices = @transform_5, window_bounds = array<i64: 2000, 1>}]} {
    %get3A = arith.constant 0 : index
    %get3A_0 = arith.constant 0 : index
    %get3A_1 = vector.load %arg3[%get3A, %get3A_0] : memref<2000x1xf32, #tpu.memory_space<vmem>>, vector<2000x1xf32>
    %get3A_2 = arith.constant 0 : index
    %get3A_3 = arith.constant 0 : index
    %get3A_4 = vector.load %arg4[%get3A_2, %get3A_3] : memref<2000x1xf32, #tpu.memory_space<vmem>>, vector<2000x1xf32>
    %add3A = arith.addf %get3A_1, %get3A_4 : vector<2000x1xf32>
    %add3A_5 = arith.constant 1.000000e+00 : f32
    %add3A_6 = vector.broadcast %add3A_5 : f32 to vector<2000x1xf32>
    %add3A_7 = arith.addf %add3A, %add3A_6 : vector<2000x1xf32>
    %rsqrt3A = math.rsqrt %add3A_7 : vector<2000x1xf32>
    %get3A_8 = arith.constant 0 : index
    %get3A_9 = arith.constant 0 : index
    %get3A_10 = vector.load %arg1[%get3A_8, %get3A_9] : memref<2000x128xf32, #tpu.memory_space<vmem>>, vector<2000x128xf32>
    %get3A_11 = arith.constant 0 : index
    %get3A_12 = arith.constant 0 : index
    %get3A_13 = vector.load %arg2[%get3A_11, %get3A_12] : memref<128x128xf32, #tpu.memory_space<vmem>>, vector<128x128xf32>
    %dot_general3A = arith.constant dense<0.000000e+00> : vector<2000x128xf32>
    %dot_general3A_14 = tpu.matmul %get3A_10, %get3A_13, %dot_general3A {dimension_numbers = #tpu.dot_dimension_numbers<[1], [0], [0], [1], [0, 0, 1, 1], [], []>, transpose_lhs_hint = false} : vector<2000x128xf32>, vector<128x128xf32>, vector<2000x128xf32> -> vector<2000x128xf32>
    %mul3A = vector.broadcast %rsqrt3A : vector<2000x1xf32> to vector<2000x128xf32>
    %mul3A_15 = arith.mulf %dot_general3A_14, %mul3A : vector<2000x128xf32>
    %swap3A = arith.constant 0 : index
    %swap3A_16 = arith.constant 0 : index
    %swap3A_17 = vector.load %arg5[%swap3A, %swap3A_16] : memref<2000x128xf32, #tpu.memory_space<vmem>>, vector<2000x128xf32>
    tpu.vector_store %arg5[%swap3A, %swap3A_16], %mul3A_15 {strides = array<i32>} : memref<2000x128xf32, #tpu.memory_space<vmem>>, vector<2000x128xf32>,
    %swap3A_18 = arith.constant 0 : index
    %swap3A_19 = arith.constant 0 : index
    %swap3A_20 = vector.load %arg6[%swap3A_18, %swap3A_19] : memref<2000x1xf32, #tpu.memory_space<vmem>>, vector<2000x1xf32>
    tpu.vector_store %arg6[%swap3A_18, %swap3A_19], %rsqrt3A {strides = array<i32>} : memref<2000x1xf32, #tpu.memory_space<vmem>>, vector<2000x1xf32>,
    return
  }
  func.func @transform_0(%arg0: i32) -> (i32, i32) {
    %c0_i32 = arith.constant 0 : i32
    %c0_i32_0 = arith.constant 0 : i32
    return %arg0, %c0_i32 : i32, i32
  }
  func.func @transform_1(%arg0: i32) -> (i32, i32) {
    %c0_i32 = arith.constant 0 : i32
    %c0_i32_0 = arith.constant 0 : i32
    %c0_i32_1 = arith.constant 0 : i32
    return %c0_i32, %c0_i32_0 : i32, i32
  }
  func.func @transform_2(%arg0: i32) -> (i32, i32) {
    %c0_i32 = arith.constant 0 : i32
    %c0_i32_0 = arith.constant 0 : i32
    return %arg0, %c0_i32 : i32, i32
  }
  func.func @transform_3(%arg0: i32) -> (i32, i32) {
    %c0_i32 = arith.constant 0 : i32
    %c0_i32_0 = arith.constant 0 : i32
    return %arg0, %c0_i32 : i32, i32
  }
  func.func @transform_4(%arg0: i32) -> (i32, i32) {
    %c0_i32 = arith.constant 0 : i32
    %c0_i32_0 = arith.constant 0 : i32
    return %arg0, %c0_i32 : i32, i32
  }
  func.func @transform_5(%arg0: i32) -> (i32, i32) {
    %c0_i32 = arith.constant 0 : i32
    %c0_i32_0 = arith.constant 0 : i32
    return %arg0, %c0_i32 : i32, i32
  }
}

module attributes {stable_mosaic.version = 14 : i64} {
  func.func @body(%arg0: i32, %arg1: memref<2000x128xf32, #tpu.memory_space<vmem>>, %arg2: memref<2000x128xf32, #tpu.memory_space<vmem>>, %arg3: memref<2000x128xf32, #tpu.memory_space<vmem>>, %arg4: memref<2000x1xf32, #tpu.memory_space<vmem>>, %arg5: memref<1x128xf32, #tpu.memory_space<vmem>>, %arg6: memref<128x128xf32, #tpu.memory_space<vmem>>, %arg7: memref<2000x128xf32, #tpu.memory_space<vmem>>) attributes {dimension_semantics = [#tpu.dimension_semantics<arbitrary>], iteration_bounds = array<i64: 5>, scalar_prefetch = 0 : i64, scratch_operands = 0 : i64, tpu.core_type = #tpu.core_type<tc>, window_params = [{transform_indices = @transform_0, window_bounds = array<i64: 2000, 128>}, {transform_indices = @transform_1, window_bounds = array<i64: 2000, 128>}, {transform_indices = @transform_2, window_bounds = array<i64: 2000, 128>}, {transform_indices = @transform_3, window_bounds = array<i64: 2000, 1>}, {pipeline_mode = #tpu.pipeline_mode<synchronous>, transform_indices = @transform_4, window_bounds = array<i64: 1, 128>}, {pipeline_mode = #tpu.pipeline_mode<synchronous>, transform_indices = @transform_5, window_bounds = array<i64: 128, 128>}, {transform_indices = @transform_6, window_bounds = array<i64: 2000, 128>}]} {
    %get3A = arith.constant 0 : index
    %get3A_0 = arith.constant 0 : index
    %get3A_1 = vector.load %arg1[%get3A, %get3A_0] : memref<2000x128xf32, #tpu.memory_space<vmem>>, vector<2000x128xf32>
    %get3A_2 = arith.constant 0 : index
    %get3A_3 = arith.constant 0 : index
    %get3A_4 = vector.load %arg2[%get3A_2, %get3A_3] : memref<2000x128xf32, #tpu.memory_space<vmem>>, vector<2000x128xf32>
    %add3A = arith.addf %get3A_1, %get3A_4 : vector<2000x128xf32>
    %get3A_5 = arith.constant 0 : index
    %get3A_6 = arith.constant 0 : index
    %get3A_7 = vector.load %arg3[%get3A_5, %get3A_6] : memref<2000x128xf32, #tpu.memory_space<vmem>>, vector<2000x128xf32>
    %add3A_8 = arith.addf %add3A, %get3A_7 : vector<2000x128xf32>
    %get3A_9 = arith.constant 0 : index
    %get3A_10 = arith.constant 0 : index
    %get3A_11 = vector.load %arg4[%get3A_9, %get3A_10] : memref<2000x1xf32, #tpu.memory_space<vmem>>, vector<2000x1xf32>
    %mul3A = vector.broadcast %get3A_11 : vector<2000x1xf32> to vector<2000x128xf32>
    %mul3A_12 = arith.mulf %add3A_8, %mul3A : vector<2000x128xf32>
    %get3A_13 = arith.constant 0 : index
    %get3A_14 = arith.constant 0 : index
    %get3A_15 = vector.load %arg5[%get3A_13, %get3A_14] : memref<1x128xf32, #tpu.memory_space<vmem>>, vector<1x128xf32>
    %add3A_16 = vector.broadcast %get3A_15 : vector<1x128xf32> to vector<2000x128xf32>
    %add3A_17 = arith.addf %mul3A_12, %add3A_16 : vector<2000x128xf32>
    %ge3A = arith.constant 0.000000e+00 : f32
    %ge3A_18 = vector.broadcast %ge3A : f32 to vector<2000x128xf32>
    %ge3A_19 = arith.cmpf oge, %add3A_17, %ge3A_18 : vector<2000x128xf32>
    %mul3A_20 = arith.constant 0.00999999977 : f32
    %mul3A_21 = vector.broadcast %mul3A_20 : f32 to vector<2000x128xf32>
    %mul3A_22 = arith.mulf %mul3A_21, %add3A_17 : vector<2000x128xf32>
    %select_n3A = arith.select %ge3A_19, %add3A_17, %mul3A_22 : vector<2000x128xi1>, vector<2000x128xf32>
    %get3A_23 = arith.constant 0 : index
    %get3A_24 = arith.constant 0 : index
    %get3A_25 = vector.load %arg6[%get3A_23, %get3A_24] : memref<128x128xf32, #tpu.memory_space<vmem>>, vector<128x128xf32>
    %dot_general3A = arith.constant dense<0.000000e+00> : vector<2000x128xf32>
    %dot_general3A_26 = tpu.matmul %select_n3A, %get3A_25, %dot_general3A {dimension_numbers = #tpu.dot_dimension_numbers<[1], [0], [0], [1], [0, 0, 1, 1], [], []>, transpose_lhs_hint = false} : vector<2000x128xf32>, vector<128x128xf32>, vector<2000x128xf32> -> vector<2000x128xf32>
    %get3A_27 = arith.constant 0 : index
    %get3A_28 = arith.constant 0 : index
    %get3A_29 = vector.load %arg4[%get3A_27, %get3A_28] : memref<2000x1xf32, #tpu.memory_space<vmem>>, vector<2000x1xf32>
    %mul3A_30 = vector.broadcast %get3A_29 : vector<2000x1xf32> to vector<2000x128xf32>
    %mul3A_31 = arith.mulf %dot_general3A_26, %mul3A_30 : vector<2000x128xf32>
    %swap3A = arith.constant 0 : index
    %swap3A_32 = arith.constant 0 : index
    %swap3A_33 = vector.load %arg7[%swap3A, %swap3A_32] : memref<2000x128xf32, #tpu.memory_space<vmem>>, vector<2000x128xf32>
    tpu.vector_store %arg7[%swap3A, %swap3A_32], %mul3A_31 {strides = array<i32>} : memref<2000x128xf32, #tpu.memory_space<vmem>>, vector<2000x128xf32>,
    return
  }
  func.func @transform_0(%arg0: i32) -> (i32, i32) {
    %c0_i32 = arith.constant 0 : i32
    %c0_i32_0 = arith.constant 0 : i32
    return %arg0, %c0_i32 : i32, i32
  }
  func.func @transform_1(%arg0: i32) -> (i32, i32) {
    %c0_i32 = arith.constant 0 : i32
    %c0_i32_0 = arith.constant 0 : i32
    return %arg0, %c0_i32 : i32, i32
  }
  func.func @transform_2(%arg0: i32) -> (i32, i32) {
    %c0_i32 = arith.constant 0 : i32
    %c0_i32_0 = arith.constant 0 : i32
    return %arg0, %c0_i32 : i32, i32
  }
  func.func @transform_3(%arg0: i32) -> (i32, i32) {
    %c0_i32 = arith.constant 0 : i32
    %c0_i32_0 = arith.constant 0 : i32
    return %arg0, %c0_i32 : i32, i32
  }
  func.func @transform_4(%arg0: i32) -> (i32, i32) {
    %c0_i32 = arith.constant 0 : i32
    %c0_i32_0 = arith.constant 0 : i32
    %c0_i32_1 = arith.constant 0 : i32
    return %c0_i32, %c0_i32_0 : i32, i32
  }
  func.func @transform_5(%arg0: i32) -> (i32, i32) {
    %c0_i32 = arith.constant 0 : i32
    %c0_i32_0 = arith.constant 0 : i32
    %c0_i32_1 = arith.constant 0 : i32
    return %c0_i32, %c0_i32_0 : i32, i32
  }
  func.func @transform_6(%arg0: i32) -> (i32, i32) {
    %c0_i32 = arith.constant 0 : i32
    %c0_i32_0 = arith.constant 0 : i32
    return %arg0, %c0_i32 : i32, i32
  }
}

module attributes {stable_mosaic.version = 14 : i64} {
  func.func @body(%arg0: i32, %arg1: memref<2000x128xf32, #tpu.memory_space<vmem>>, %arg2: memref<2000x128xf32, #tpu.memory_space<vmem>>, %arg3: memref<2000x128xf32, #tpu.memory_space<vmem>>, %arg4: memref<2000x1xf32, #tpu.memory_space<vmem>>, %arg5: memref<1x128xf32, #tpu.memory_space<vmem>>, %arg6: memref<2000x128xf32, #tpu.memory_space<vmem>>) attributes {dimension_semantics = [#tpu.dimension_semantics<arbitrary>], iteration_bounds = array<i64: 5>, scalar_prefetch = 0 : i64, scratch_operands = 0 : i64, tpu.core_type = #tpu.core_type<tc>, window_params = [{transform_indices = @transform_0, window_bounds = array<i64: 2000, 128>}, {transform_indices = @transform_1, window_bounds = array<i64: 2000, 128>}, {transform_indices = @transform_2, window_bounds = array<i64: 2000, 128>}, {transform_indices = @transform_3, window_bounds = array<i64: 2000, 1>}, {pipeline_mode = #tpu.pipeline_mode<synchronous>, transform_indices = @transform_4, window_bounds = array<i64: 1, 128>}, {transform_indices = @transform_5, window_bounds = array<i64: 2000, 128>}]} {
    %get3A = arith.constant 0 : index
    %get3A_0 = arith.constant 0 : index
    %get3A_1 = vector.load %arg1[%get3A, %get3A_0] : memref<2000x128xf32, #tpu.memory_space<vmem>>, vector<2000x128xf32>
    %get3A_2 = arith.constant 0 : index
    %get3A_3 = arith.constant 0 : index
    %get3A_4 = vector.load %arg2[%get3A_2, %get3A_3] : memref<2000x128xf32, #tpu.memory_space<vmem>>, vector<2000x128xf32>
    %add3A = arith.addf %get3A_1, %get3A_4 : vector<2000x128xf32>
    %get3A_5 = arith.constant 0 : index
    %get3A_6 = arith.constant 0 : index
    %get3A_7 = vector.load %arg3[%get3A_5, %get3A_6] : memref<2000x128xf32, #tpu.memory_space<vmem>>, vector<2000x128xf32>
    %add3A_8 = arith.addf %add3A, %get3A_7 : vector<2000x128xf32>
    %get3A_9 = arith.constant 0 : index
    %get3A_10 = arith.constant 0 : index
    %get3A_11 = vector.load %arg4[%get3A_9, %get3A_10] : memref<2000x1xf32, #tpu.memory_space<vmem>>, vector<2000x1xf32>
    %mul3A = vector.broadcast %get3A_11 : vector<2000x1xf32> to vector<2000x128xf32>
    %mul3A_12 = arith.mulf %add3A_8, %mul3A : vector<2000x128xf32>
    %get3A_13 = arith.constant 0 : index
    %get3A_14 = arith.constant 0 : index
    %get3A_15 = vector.load %arg5[%get3A_13, %get3A_14] : memref<1x128xf32, #tpu.memory_space<vmem>>, vector<1x128xf32>
    %add3A_16 = vector.broadcast %get3A_15 : vector<1x128xf32> to vector<2000x128xf32>
    %add3A_17 = arith.addf %mul3A_12, %add3A_16 : vector<2000x128xf32>
    %ge3A = arith.constant 0.000000e+00 : f32
    %ge3A_18 = vector.broadcast %ge3A : f32 to vector<2000x128xf32>
    %ge3A_19 = arith.cmpf oge, %add3A_17, %ge3A_18 : vector<2000x128xf32>
    %mul3A_20 = arith.constant 0.00999999977 : f32
    %mul3A_21 = vector.broadcast %mul3A_20 : f32 to vector<2000x128xf32>
    %mul3A_22 = arith.mulf %mul3A_21, %add3A_17 : vector<2000x128xf32>
    %select_n3A = arith.select %ge3A_19, %add3A_17, %mul3A_22 : vector<2000x128xi1>, vector<2000x128xf32>
    %swap3A = arith.constant 0 : index
    %swap3A_23 = arith.constant 0 : index
    %swap3A_24 = vector.load %arg6[%swap3A, %swap3A_23] : memref<2000x128xf32, #tpu.memory_space<vmem>>, vector<2000x128xf32>
    tpu.vector_store %arg6[%swap3A, %swap3A_23], %select_n3A {strides = array<i32>} : memref<2000x128xf32, #tpu.memory_space<vmem>>, vector<2000x128xf32>,
    return
  }
  func.func @transform_0(%arg0: i32) -> (i32, i32) {
    %c0_i32 = arith.constant 0 : i32
    %c0_i32_0 = arith.constant 0 : i32
    return %arg0, %c0_i32 : i32, i32
  }
  func.func @transform_1(%arg0: i32) -> (i32, i32) {
    %c0_i32 = arith.constant 0 : i32
    %c0_i32_0 = arith.constant 0 : i32
    return %arg0, %c0_i32 : i32, i32
  }
  func.func @transform_2(%arg0: i32) -> (i32, i32) {
    %c0_i32 = arith.constant 0 : i32
    %c0_i32_0 = arith.constant 0 : i32
    return %arg0, %c0_i32 : i32, i32
  }
  func.func @transform_3(%arg0: i32) -> (i32, i32) {
    %c0_i32 = arith.constant 0 : i32
    %c0_i32_0 = arith.constant 0 : i32
    return %arg0, %c0_i32 : i32, i32
  }
  func.func @transform_4(%arg0: i32) -> (i32, i32) {
    %c0_i32 = arith.constant 0 : i32
    %c0_i32_0 = arith.constant 0 : i32
    %c0_i32_1 = arith.constant 0 : i32
    return %c0_i32, %c0_i32_0 : i32, i32
  }
  func.func @transform_5(%arg0: i32) -> (i32, i32) {
    %c0_i32 = arith.constant 0 : i32
    %c0_i32_0 = arith.constant 0 : i32
    return %arg0, %c0_i32 : i32, i32
  }
}

</mosaic_0001>

<sc_bundles>
// kernel: kernel.11.cloned.1.call-start
scs
__scs_entry_jumppad:
0x0: {  	(pc) =	sbr.rel $0x88, $3  }
0x1: {  	(tag) =	ssettag $0x0;
	lr =	simm.s32 $0x1  }
0x2: {  	[smem:$0x3F9B] =	sst lr;
	_ =	strace $0xD0000000  }
0x3: {  	_ = 	snop  }
0x4: {  	_ = 	snop  }
0x5: {  	_ = 	snop  }
0x6: {  	_ = 	snop  }
0x7: {  	_ = 	snop  }
__scs_overlays_trampoline_lowered:
0x8: {  	[smem:$0x3FAA] =	sst s0  }
0x9: {  	[smem:$0x3FAB] =	sst s1  }
0xa: {  	[smem:$0x3FAC] =	sst s2  }
0xb: {  	[smem:$0x3FAD] =	sst s3  }
0xc: {  	[smem:$0x3FAE] =	sst s4  }
0xd: {  	[smem:$0x3FAF] =	sst s5  }
0xe: {  	[smem:$0x3FB0] =	sst s6  }
0xf: {  	[smem:$0x3FB1] =	sst s7  }
0x10: {  	[smem:$0x3FB2] =	sst s8  }
0x11: {  	[smem:$0x3FB3] =	sst s9;
	s0 =	simm.s32 @!p0 $0x0  }
0x12: {  	s1 =	sld [smem:$0x3F99];
	s0 =	simm.s32 @p0 $0x1  }
0x13: {  	[smem:$0x3FB4] =	sst s0;
	s0 =	simm.s32 @!p1 $0x0  }
0x14: {  	s2 =	sld [smem:$0x3F98];
	s0 =	simm.s32 @p1 $0x1  }
0x15: {  	[smem:$0x3FB5] =	sst s0;
	s0 =	simm.s32 @!p2 $0x0  }
0x16: {  	s3 =	sld [smem:$0x3FDB];
	s0 =	simm.s32 @p2 $0x1  }
0x17: {  	s4 =	simm.s32 $0x1BF5;
	[smem:$0x3FB7] =	sst s0  }
0x18: {  	s0 =	sld [smem:$0x3F9A];
	_ =	swait.ge [sflag:s4], $0x0  }
0x19: {  	s7 =	sld [smem:$0x3F9B]  }
0x1a: {  	s8 =	sadd.s32 $0xFFFFE003, lr  }
0x1b: {  	s9 =	sadd.s32 $0xFFFFFEF7, lr;
	s5 =	simm.s32 $0xFFFFFFFF;
	p2 =	slt.u32 s8, $0xFFFFF086  }
0x1c: {  	p1 =	slt.u32 s9, $0xF7A;
	s5 =	simm.s32 @!p2 $0x0  }
0x1d: {  	s5 =	simm.s32 @p1 $0x1;
	p0 =	seq.s32 s7, s2  }
0x1e: {  	s7 =	smul.u32 @!p0 $0xF7A, s2;
	p2 =	seq.s32 @!p0 s5, $0x0  }
0x1f: {  	s9 =	smul.u32 $0xF7A, s1;
	s8 =	simm.s32 @!p0 $0x1BF5;
	p2 =	por !p2, p0  }
0x20: {  	[sflag:s8] =	ssyncset.s32 @!p0 $0xFFFFF086;
	s6 =	sadd.s32 @!p0 s3, s7;
	s7 =	simm.s32 @!p0 $0x108  }
0x21: {  	s3 =	sadd.s32 s3, s9;
	s6 =	sadd.s32 @!p0 $0x88, s6;
	s7 =	simm.s32 @p2 $0x1082  }
0x22: {  	[simem:s7], [sflag:s8] =	dma.local @!p0 [hbm:s6], $0xF7A  }
0x23: {  	s9 =	sor.u32 $0xD0000000, s2;
	s6 =	simm.s32 $0x108;
	_ =	swait.ge @!p0 [sflag:s8], $0x0  }
0x24: {  	s3 =	sadd.s32 $0x88, s3;
	s6 =	simm.s32 @!p1 $0x1082;
	[sflag:s4] =	ssyncset.s32 $0xFFFFF086  }
0x25: {  	[simem:s6], [sflag:s4] =	dma.local [hbm:s3], $0xF7A  }
0x26: {  	[smem:$0x3F9B] =	sst s1;
	(tag) =	ssettag s2;
	_ =	strace s9  }
0x27: {  	s1 =	sld [smem:$0x3FAB]  }
0x28: {  	s2 =	sld [smem:$0x3FAC]  }
0x29: {  	s4 =	sld [smem:$0x3FAE]  }
0x2a: {  	p0 =	seq.s32 s5, $0x0;
	s5 =	sld [smem:$0x3FAF]  }
0x2b: {  	s6 =	sld [smem:$0x3FB0]  }
0x2c: {  	s7 =	sld [smem:$0x3FB1]  }
0x2d: {  	s3 =	simm.s32 $0x108;
	s8 =	sld [smem:$0x3FB2]  }
0x2e: {  	s3 =	simm.s32 @!p0 $0x1082;
	s9 =	sld [smem:$0x3FB3]  }
0x2f: {  	lr =	sadd.s32 s0, s3;
	s0 =	sld [smem:$0x3FAA]  }
0x30: {  	s3 =	sld [smem:$0x3FAD]  }
0x31: {  	[smem:$0x3FB6] =	sst s10  }
0x32: {  	s10 =	sld [smem:$0x3FB4];
	_ =	sdelay $0x3  }
0x33: {  	p0 =	seq.s32 s10, $0x1;
	s10 =	sld [smem:$0x3FB6];
	_ =	sdelay $0x3  }
0x34: {  	[smem:$0x3FB6] =	sst s10  }
0x35: {  	s10 =	sld [smem:$0x3FB5];
	_ =	sdelay $0x3  }
0x36: {  	p1 =	seq.s32 s10, $0x1;
	s10 =	sld [smem:$0x3FB6];
	_ =	sdelay $0x3  }
0x37: {  	[smem:$0x3FB6] =	sst s10  }
0x38: {  	s10 =	sld [smem:$0x3FB7]  }
0x39: {  	_ = 	snop;
	(pc) =	sbr.ind lr, $3  }
0x3a: {  	_ = 	snop  }
0x3b: {  	_ = 	snop  }
0x3c: {  	p2 =	seq.s32 s10, $0x1;
	s10 =	sld [smem:$0x3FB6]  }
0x3d: {  	_ =	shalt  }
0x3e: {  	_ =	shalt  }
0x3f: {  	_ =	shalt  }
0x40: {  	_ =	shalt  }
0x41: {  	_ =	shalt  }
0x42: {  	_ =	shalt  }
0x43: {  	_ =	shalt  }
0x44: {  	_ =	shalt  }
0x45: {  	_ =	shalt  }
0x46: {  	_ =	shalt  }
0x47: {  	_ =	shalt  }
0x48: {  	_ =	shalt  }
0x49: {  	_ =	shalt  }
0x4a: {  	_ =	shalt  }
0x4b: {  	_ =	shalt  }
0x4c: {  	_ =	shalt  }
0x4d: {  	_ =	shalt  }
0x4e: {  	_ =	shalt  }
0x4f: {  	_ =	shalt  }
0x50: {  	_ =	shalt  }
0x51: {  	_ =	shalt  }
0x52: {  	_ =	shalt  }
0x53: {  	_ =	shalt  }
0x54: {  	_ =	shalt  }
0x55: {  	_ =	shalt  }
0x56: {  	_ =	shalt  }
0x57: {  	_ =	shalt  }
0x58: {  	_ =	shalt  }
0x59: {  	_ =	shalt  }
0x5a: {  	_ =	shalt  }
0x5b: {  	_ =	shalt  }
0x5c: {  	_ =	shalt  }
0x5d: {  	_ =	shalt  }
0x5e: {  	_ =	shalt  }
0x5f: {  	_ =	shalt  }
0x60: {  	_ =	shalt  }
0x61: {  	_ =	shalt  }
0x62: {  	_ =	shalt  }
0x63: {  	_ =	shalt  }
0x64: {  	_ =	shalt  }
0x65: {  	_ =	shalt  }
0x66: {  	_ =	shalt  }
0x67: {  	_ =	shalt  }
0x68: {  	_ =	shalt  }
0x69: {  	_ =	shalt  }
0x6a: {  	_ =	shalt  }
0x6b: {  	_ =	shalt  }
0x6c: {  	_ =	shalt  }
0x6d: {  	_ =	shalt  }
0x6e: {  	_ =	shalt  }
0x6f: {  	_ =	shalt  }
0x70: {  	_ =	shalt  }
0x71: {  	_ =	shalt  }
0x72: {  	_ =	shalt  }
0x73: {  	_ =	shalt  }
0x74: {  	_ =	shalt  }
0x75: {  	_ =	shalt  }
0x76: {  	_ =	shalt  }
0x77: {  	_ =	shalt  }
0x78: {  	_ =	shalt  }
0x79: {  	_ =	shalt  }
0x7a: {  	_ =	shalt  }
0x7b: {  	_ =	shalt  }
0x7c: {  	_ =	shalt  }
0x7d: {  	_ =	shalt  }
0x7e: {  	_ =	shalt  }
0x7f: {  	_ =	shalt  }
0x80: {  	_ =	shalt  }
0x81: {  	_ =	shalt  }
0x82: {  	_ =	shalt  }
0x83: {  	_ =	shalt  }
0x84: {  	_ =	shalt  }
0x85: {  	_ =	shalt  }
0x86: {  	_ =	shalt  }
0x87: {  	_ =	shalt  }
.Lfunc_end0:
.L_simem_size_0:
called_computation.1_lowered:
.L_overlay_start_0:
0x88: {  	s2 =	sld [smem:$0x3FD9]  }
0x89: {  	s3 =	sld [smem:$0x3FFE];
	_ =	sdelay $0x1  }
0x8a: {  	s1 =	srdreg.scid  }
0x8b: {  	s0 =	sand.u32 $0x1, s1  }
0x8c: {  	s16 =	sshll.u32 s0, $0xA;
	s2 =	sadd.s32 s3, s2  }
0x8d: {  	s2 =	sadd.s32 s2, s16  }
0x8e: {  	[smem:$0x3FC2] =	sst s2  }
0x8f: {  	_ = 	snop  }
0x90: {  	(tm) =	ssettm $0x1  }
0x91: {  	s17 =	sld [smem:$0x3FFB];
	_ =	sdelay $0x3  }
0x92: {  	_ =	strace s17  }
0x93: {  	s2 =	sld [smem:$0x3FFC];
	_ =	sdelay $0x3  }
0x94: {  	_ =	strace s2  }
0x95: {  	s2 =	sld [smem:$0x3FFD];
	_ =	sdelay $0x3  }
0x96: {  	_ =	strace s2  }
0x97: {  	_ =	strace $0x8FFFFFFF  }
0x98: {  	s18 =	sld [smem:$0x3FDB];
	_ =	sdelay $0x1  }
0x99: {  	s19 =	simm.s32 $_scs_section_size  }
0x9a: {  	s4 =	simm.s32 $_size__tile_overlayer_lowered;
	s5 =	simm.s32 $_tile_overlayer_lowered  }
0x9b: {  	s22 =	simm.s32 $0x1BFF;
	s21 =	sshll.u32 s5, $0x1;
	s2 =	sadd.s32 s19, s18  }
0x9c: {  	s6 =	simm.s32 $0x0;
	s20 =	sshll.u32 s4, $0x1;
	s4 =	sadd.s32 s21, s2  }
0x9d: {  	[timem:s6], [sflag:s22] =	dma.local [hbm:s4], s20  }
0x9e: {  	_ =	swait.ge [sflag:s22], s20  }
0x9f: {  	s3 =	ssub.s32 $0x0, s20;
	[sflag:s22] =	ssyncset.done $0x0  }
0xa0: {  	[sflag:s22] =	ssyncadd.s32 s3;
	_ =	sdelay $0x1  }
0xa1: {  	s23 =	simm.s32 $0x1B8B  }
0xa2: {  	_ =	swait.ge [sflag:s23], $0x1  }
0xa3: {  	[sflag:s23] =	ssyncset.done $0x0  }
0xa4: {  	s25 =	simm.s32 $0x1B8E;
	s24 =	sld [smem:$0x3FFE];
	[sflag:s23] =	ssyncadd.s32 $0xFFFFFFFF  }
0xa5: {  	s26 =	simm.s32 $execute0_lowered;
	[smem:$0x3FD2] =	sst s25  }
0xa6: {  	s4 =	sshll.u32 s26, $0x1;
	_ =	strace $0x80000049;
	[dreg:$0x1] =	wrdreg $0xFFFFFFFF  }
0xa7: {  	s28 =	simm.s32 $_size_execute0_lowered;
	s2 =	sadd.s32 s2, s4;
	[dreg:$0x0] =	wrdreg $0x0  }
0xa8: {  	s4 =	sshll.u32 s28, $0x1;
	[dreg:$0x2] =	wrdreg s2  }
0xa9: {  	[dreg:$0x3] =	wrdreg s4  }
0xaa: {  	[dreg:$0x4] =	wrdreg $0xC0  }
0xab: {  	_ =	task [dreg:s6], $0x5FFFF  }
0xac: {  	[dreg:$0x1] =	wrdreg $0xFFFFFFFF  }
0xad: {  	[dreg:$0x0] =	wrdreg $0x60  }
0xae: {  	[dreg:$0x2] =	wrdreg s24  }
0xaf: {  	[dreg:$0x3] =	wrdreg $0x0  }
0xb0: {  	[dreg:$0x4] =	wrdreg $0x9  }
0xb1: {  	_ =	task.clear_ibuf [dreg:s6], $0x5FFFF;
	_ =	strace $0x90000049  }
0xb2: {  	s29 =	simm.s32 $0x9;
	_ =	strace $0x8000004B  }
0xb3: {  	_ =	swait.ge [sflag:s29], $0x1  }
0xb4: {  	[sflag:s29] =	ssyncadd.s32 $0xFFFFFFFF  }
0xb5: {  	_ =	strace $0x9000004B  }
0xb6: {  	_ =	sfence  }
0xb7: {  	s30 =	sld [smem:$0x0];
	_ =	sdelay $0x2  }
0xb8: {  	s31 =	sshll.u32 s1, $0xD;
	s1 =	sshrl.u32 s1, $0x2  }
0xb9: {  	s3 =	sand.u32 $0x4000, s31;
	s1 =	sadd.s32 s1, s30  }
0xba: {  	s0 =	sor.u32 s3, s0;
	s1 =	sshll.u32 s1, $0x11  }
0xbb: {  	s0 =	sor.u32 s1, s0  }
0xbc: {  	s0 =	sadd.s32 $0x8F2B, s0  }
0xbd: {  	[sflag:s0] =	ssyncadd.remote.s32 $0x1  }
0xbe: {  	_ =	sfence.sel $0xFFFF  }
0xbf: {  	[dreg:$0x0] =	wrdreg $0xFFFFFFFF;
	(pc) =	sbr.abs _section_cstart, $3  }
0xc0: {  	[dreg:$0x1] =	wrdreg $0xFFFFFFFF  }
0xc1: {  	_ =	task.clear_ibuf [dreg:s6], $0x2FFFF;
	_ =	strace $0x9FFFFFFF  }
0xc2: {  	(tm) =	ssettm $0x7FFFFFFF  }
0xc3: {  	_ =	shalt  }
tec
execute0_lowered:
.L_overlay_start_1:
0x0: {  	(tag) =	ssettag $0x1  }
0x1: {  	s7 =	rddreg [dreg:$0x0]  }
0x2: {  	s1 =	rddreg [dreg:$0x1];
	s2 =	srdreg.scid  }
0x3: {  	s3 =	simm.s32 $0x0;
	s0 =	stileid.u32;
	s16 =	simm.s32 $0x3  }
0x4: {  	s17 =	simm.s32 $0x14000;
	s18 =	simm.s32 $0x15400;
	s19 =	simm.s32 $0x80  }
0x5: {  	s20 =	simm.s32 $0x1A800;
	s21 =	simm.s32 $0x1;
	s9 =	smul.u32 $0x14000, s0  }
0x6: {  	s22 =	simm.s32 $0x2;
	s24 =	simm.s32 $0x16700;
	s10 =	smul.u32 $0x50000, s0  }
0x7: {  	s25 =	simm.s32 $0x16780;
	s23 =	sand.u32 $0x1, s2;
	s12 =	smul.u32 $0x28, s0  }
0x8: {  	[smem:$0x7FF] =	sst s3;
	s4 =	sadd.s32 $0x16800, s7;
	s15 =	smul.u32 $0x78, s0  }
0x9: {  	s5 =	sadd.s32 $0xC800, s7;
	s6 =	sadd.s32 $0x2800, s7;
	s8 =	smul.u32 $0x140000, s23  }
0xa: {  	_ =	strace $0x8000004A;
	s30 =	ssub.s32 $0x2, s23;
	p0 =	seq.s32 s23, $0x0  }
0xb: {  	s10 =	sshrl.u32 s10, $0x2;
	s31 =	sshrl.u32 s30, $0x1;
	s12 =	sadd.s32 $0x780, s12  }
0xc: {  	s8 =	sadd.s32 s9, s8;
	s14 =	ssub.s32 s30, s31;
	s12 =	smov.u32 @p0 s15  }
0xd: {  	s15 =	simm.s32 $0x16800;
	p0 =	sne.s32 s23, $0x0;
	s8 =	sshrl.u32 s8, $0x3  }
0xe: {  	s23 =	simm.s32 $0x15380;
	s13 =	sadd.s32 s8, s7;
	s7 =	sadd.s32 s10, s1  }
0xf: {  	s14 =	smax.u32 s14, $0x1;
	s8 =	sadd.s32 $0x4000, s7;
	s9 =	sadd.s32 $0x8000, s7  }
0x10: {  	v0 =	vimm.f32 $0.0e+00;
	s10 =	sadd.s32 $0xC000, s7;
	s11 =	sadd.s32 $0x10000, s7;
	s13 =	sadd.s32 $0x3E800, s13  }
.LBB2_1:
0x11: {  	s26 =	simm.s32 $0x0;
	s28 =	simm.s32 $0x200  }
.LBB2_2:
0x12: {  	p1 =	sne.s32 s28, $0xFE00;
	[tilespmem:s26+$0x16870] =	vst v0  }
0x13: {  	[tilespmem:s26+$0x16800] =	vst v0  }
0x14: {  	[tilespmem:s26+$0x16810] =	vst v0  }
.Ltmp0:
0x15: {  	[tilespmem:s26+$0x16820] =	vst v0;
	(pc) =	sbr.rel @p1 .LBB2_2-.Ltmp0, $4  }
0x16: {  	[tilespmem:s26+$0x16830] =	vst v0  }
0x17: {  	[tilespmem:s26+$0x16840] =	vst v0  }
0x18: {  	[tilespmem:s26+$0x16850] =	vst v0  }
0x19: {  	[tilespmem:s26+$0x16860] =	vst v0;
	s26 =	sshra.s32 s28, $0x2;
	s28 =	sadd.s32 $0x200, s28  }
0x1a: {  	[tilespmem:s26+$0x16870] =	vst v0  }
0x1b: {  	[tilespmem:s26+$0x16800] =	vst v0  }
0x1c: {  	[tilespmem:s26+$0x16810] =	vst v0  }
0x1d: {  	[tilespmem:s26+$0x16820] =	vst v0  }
0x1e: {  	[tilespmem:s26+$0x16830] =	vst v0  }
0x1f: {  	[tilespmem:s26+$0x16840] =	vst v0  }
0x20: {  	[tilespmem:s26+$0x16850] =	vst v0  }
0x21: {  	[tilespmem:s26+$0x16860] =	vst v0  }
0x22: {  	[spmem:s7] =	stream.linear.scatter [tilespmem:s15], [sflag:$0x3], $0x4000, $0x38;
	[tilespmem:$0x1E800] =	vst v63  }
0x23: {  	_ =	swait.ge [sflag:s16], $0x4000  }
0x24: {  	[sflag:s16] =	ssyncset.done $0x0  }
0x25: {  	[sflag:s16] =	ssyncadd.s32 $0xFFFFC000  }
0x26: {  	[spmem:s8] =	stream.linear.scatter [tilespmem:s15], [sflag:$0x3], $0x4000, $0x38;
	[tilespmem:$0x1E800] =	vst v63  }
0x27: {  	_ =	swait.ge [sflag:s16], $0x4000  }
0x28: {  	[sflag:s16] =	ssyncset.done $0x0  }
0x29: {  	[sflag:s16] =	ssyncadd.s32 $0xFFFFC000  }
0x2a: {  	[spmem:s9] =	stream.linear.scatter [tilespmem:s15], [sflag:$0x3], $0x4000, $0x38;
	[tilespmem:$0x1E800] =	vst v63  }
0x2b: {  	_ =	swait.ge [sflag:s16], $0x4000  }
0x2c: {  	[sflag:s16] =	ssyncset.done $0x0  }
0x2d: {  	[sflag:s16] =	ssyncadd.s32 $0xFFFFC000  }
0x2e: {  	[spmem:s10] =	stream.linear.scatter [tilespmem:s15], [sflag:$0x3], $0x4000, $0x38;
	[tilespmem:$0x1E800] =	vst v63  }
0x2f: {  	_ =	swait.ge [sflag:s16], $0x4000  }
0x30: {  	[sflag:s16] =	ssyncset.done $0x0  }
0x31: {  	[sflag:s16] =	ssyncadd.s32 $0xFFFFC000  }
0x32: {  	[spmem:s11] =	stream.linear.scatter [tilespmem:s15], [sflag:$0x3], $0x4000, $0x38;
	[tilespmem:$0x1E800] =	vst v63  }
0x33: {  	_ =	swait.ge [sflag:s16], $0x4000  }
0x34: {  	[sflag:s16] =	ssyncset.done $0x0  }
0x35: {  	[sflag:s16] =	ssyncadd.s32 $0xFFFFC000  }
0x36: {  	s26 =	simm.s32 $0x0;
	s28 =	simm.s32 $0x0;
	[bflag:$0x0] =	sbarrier.arrive $0xFFFF  }
.LBB2_4:
0x37: {  	s29 =	smul.u32 $0x28, s28;
	_ =	sdelay $0x1  }
0x38: {  	s29 =	sadd.s32 s12, s29  }
0x39: {  	s29 =	sshll.u32 s29, $0x4  }
0x3a: {  	s30 =	sadd.s32 s5, s29  }
0x3b: {  	[tilespmem:s17], [sflag:$0x3] =	stream.linear.gather [hbm4b:s30+s26], $0x1400, $0x38;
	[tilespmem:$0x1E800] =	vst v63  }
0x3c: {  	_ =	swait.ge [sflag:s16], $0x1400  }
0x3d: {  	[sflag:s16] =	ssyncset.done $0x0  }
0x3e: {  	s29 =	sadd.s32 s6, s29;
	[sflag:s16] =	ssyncadd.s32 $0xFFFFEC00  }
0x3f: {  	[tilespmem:s18], [sflag:$0x3] =	stream.linear.gather [hbm4b:s29+s26], $0x1400, $0x38;
	[tilespmem:$0x1E800] =	vst v63  }
0x40: {  	_ =	swait.ge [sflag:s16], $0x1400  }
0x41: {  	[sflag:s16] =	ssyncset.done $0x0  }
0x42: {  	[sflag:s16] =	ssyncadd.s32 $0xFFFFEC00  }
0x43: {  	[tilespmem:s15], [sflag:$0x1] =	stream.indirect.gather [hbm4b:s4+s19], $0x80, s17, s19, $0xb8;
	[tilespmem:$0x1E800] =	vst v63  }
0x44: {  	s29 =	simm.s32 $0x14080  }
0x45: {  	[tilespmem:s20], [sflag:$0x2] =	stream.indirect.gather [hbm4b:s4+s19], $0x80, s29, s19, $0xb8;
	[tilespmem:$0x1E800] =	vst v63  }
0x46: {  	_ =	swait.ge [sflag:s21], $0x4000  }
0x47: {  	[sflag:s21] =	ssyncset.done $0x0  }
0x48: {  	s29 =	simm.s32 $0x15400;
	[sflag:s21] =	ssyncadd.s32 $0xFFFFC000  }
0x49: {  	[spmem:s1] =	stream.indirect.scatter.add.f32 [tilespmem:s15], [sflag:$0x3], $0x80, s29, s19, $0xb8;
	[tilespmem:$0x1E800] =	vst v63  }
0x4a: {  	_ =	swait.ge [sflag:s16], $0x4000  }
0x4b: {  	[sflag:s16] =	ssyncset.done $0x0  }
0x4c: {  	s29 =	simm.s32 $0x14100;
	[sflag:s16] =	ssyncadd.s32 $0xFFFFC000  }
0x4d: {  	[tilespmem:s15], [sflag:$0x1] =	stream.indirect.gather [hbm4b:s4+s19], $0x80, s29, s19, $0xb8;
	[tilespmem:$0x1E800] =	vst v63  }
0x4e: {  	_ =	swait.ge [sflag:s22], $0x4000  }
0x4f: {  	[sflag:s22] =	ssyncset.done $0x0  }
0x50: {  	s29 =	simm.s32 $0x15480;
	[sflag:s22] =	ssyncadd.s32 $0xFFFFC000  }
0x51: {  	[spmem:s1] =	stream.indirect.scatter.add.f32 [tilespmem:s20], [sflag:$0x3], $0x80, s29, s19, $0xb8;
	[tilespmem:$0x1E800] =	vst v63  }
0x52: {  	_ =	swait.ge [sflag:s16], $0x4000  }
0x53: {  	s30 =	simm.s32 $0x800;
	s29 =	simm.s32 $0x100;
	[sflag:s16] =	ssyncset.done $0x0  }
.LBB2_5:
0x54: {  	s31 =	sadd.s32 $0x14080, s29  }
0x55: {  	[sflag:s16] =	ssyncadd.s32 $0xFFFFC000;
	s0 =	smov.u32 s30;
	s2 =	sadd.s32 $0x400, s30  }
0x56: {  	[tilespmem:s20], [sflag:$0x2] =	stream.indirect.gather [hbm4b:s4+s19], $0x80, s31, s19, $0xb8;
	[tilespmem:$0x1E800] =	vst v63  }
0x57: {  	p1 =	sne.s32 s30, $0x4800;
	_ =	swait.ge [sflag:s21], $0x4000  }
0x58: {  	[sflag:s21] =	ssyncset.done $0x0  }
0x59: {  	s30 =	sadd.s32 $0x15400, s29;
	[sflag:s21] =	ssyncadd.s32 $0xFFFFC000  }
0x5a: {  	[spmem:s1] =	stream.indirect.scatter.add.f32 [tilespmem:s15], [sflag:$0x3], $0x80, s30, s19, $0xb8;
	[tilespmem:$0x1E800] =	vst v63  }
0x5b: {  	_ =	swait.ge [sflag:s16], $0x4000  }
0x5c: {  	[sflag:s16] =	ssyncset.done $0x0  }
0x5d: {  	s30 =	sadd.s32 $0x14100, s29;
	[sflag:s16] =	ssyncadd.s32 $0xFFFFC000  }
0x5e: {  	[tilespmem:s15], [sflag:$0x1] =	stream.indirect.gather [hbm4b:s4+s19], $0x80, s30, s19, $0xb8;
	[tilespmem:$0x1E800] =	vst v63  }
0x5f: {  	_ =	swait.ge [sflag:s22], $0x4000  }
.Ltmp1:
0x60: {  	[sflag:s22] =	ssyncset.done $0x0;
	(pc) =	sbr.rel @p1 .LBB2_5-.Ltmp1, $4  }
0x61: {  	s29 =	sadd.s32 $0x15480, s29;
	[sflag:s22] =	ssyncadd.s32 $0xFFFFC000  }
0x62: {  	[spmem:s1] =	stream.indirect.scatter.add.f32 [tilespmem:s20], [sflag:$0x3], $0x80, s29, s19, $0xb8;
	[tilespmem:$0x1E800] =	vst v63  }
0x63: {  	_ =	swait.ge [sflag:s16], $0x4000  }
0x64: {  	s30 =	smov.u32 s2;
	s29 =	sshra.s32 s0, $0x2;
	[sflag:s16] =	ssyncset.done $0x0  }
0x65: {  	s0 =	sadd.s32 $0x14080, s29;
	[sflag:s16] =	ssyncadd.s32 $0xFFFFC000  }
0x66: {  	[tilespmem:s20], [sflag:$0x2] =	stream.indirect.gather [hbm4b:s4+s19], $0x80, s0, s19, $0xb8;
	[tilespmem:$0x1E800] =	vst v63  }
0x67: {  	_ =	swait.ge [sflag:s21], $0x4000  }
0x68: {  	[sflag:s21] =	ssyncset.done $0x0  }
0x69: {  	s2 =	sadd.s32 $0x15400, s29;
	[sflag:s21] =	ssyncadd.s32 $0xFFFFC000  }
0x6a: {  	[spmem:s1] =	stream.indirect.scatter.add.f32 [tilespmem:s15], [sflag:$0x3], $0x80, s2, s19, $0xb8;
	[tilespmem:$0x1E800] =	vst v63  }
0x6b: {  	_ =	swait.ge [sflag:s16], $0x4000  }
0x6c: {  	[sflag:s16] =	ssyncset.done $0x0  }
0x6d: {  	s30 =	sadd.s32 $0x14100, s29;
	[sflag:s16] =	ssyncadd.s32 $0xFFFFC000  }
0x6e: {  	[tilespmem:s15], [sflag:$0x1] =	stream.indirect.gather [hbm4b:s4+s19], $0x80, s30, s19, $0xb8;
	[tilespmem:$0x1E800] =	vst v63  }
0x6f: {  	_ =	swait.ge [sflag:s22], $0x4000  }
0x70: {  	[sflag:s22] =	ssyncset.done $0x0  }
0x71: {  	s31 =	sadd.s32 $0x15480, s29;
	[sflag:s22] =	ssyncadd.s32 $0xFFFFC000  }
0x72: {  	[spmem:s1] =	stream.indirect.scatter.add.f32 [tilespmem:s20], [sflag:$0x3], $0x80, s31, s19, $0xb8;
	[tilespmem:$0x1E800] =	vst v63  }
0x73: {  	_ =	swait.ge [sflag:s16], $0x4000  }
0x74: {  	[sflag:s16] =	ssyncset.done $0x0  }
0x75: {  	[sflag:s16] =	ssyncadd.s32 $0xFFFFC000  }
0x76: {  	[tilespmem:s20], [sflag:$0x2] =	stream.indirect.gather [hbm4b:s4+s19], $0x80, s23, s19, $0xb8;
	[tilespmem:$0x1E800] =	vst v63  }
0x77: {  	_ =	swait.ge [sflag:s21], $0x4000  }
0x78: {  	[sflag:s21] =	ssyncset.done $0x0  }
0x79: {  	[sflag:s21] =	ssyncadd.s32 $0xFFFFC000  }
0x7a: {  	[spmem:s1] =	stream.indirect.scatter.add.f32 [tilespmem:s15], [sflag:$0x3], $0x80, s24, s19, $0xb8;
	[tilespmem:$0x1E800] =	vst v63  }
0x7b: {  	_ =	swait.ge [sflag:s16], $0x4000  }
0x7c: {  	[sflag:s16] =	ssyncset.done $0x0  }
0x7d: {  	[sflag:s16] =	ssyncadd.s32 $0xFFFFC000  }
0x7e: {  	p1 =	slt.u32 @!p0 s28, $0x2;
	_ =	swait.ge [sflag:s22], $0x4000  }
0x7f: {  	p1 =	por p0, !p1;
	[sflag:s22] =	ssyncset.done $0x0  }
.Ltmp2:
0x80: {  	[sflag:s22] =	ssyncadd.s32 $0xFFFFC000;
	(pc) =	sbr.rel @!p1 .LBB2_4-.Ltmp2, $4  }
0x81: {  	[spmem:s1] =	stream.indirect.scatter.add.f32 [tilespmem:s20], [sflag:$0x3], $0x80, s25, s19, $0xb8;
	[tilespmem:$0x1E800] =	vst v63  }
0x82: {  	_ =	swait.ge [sflag:s16], $0x4000  }
0x83: {  	[sflag:s16] =	ssyncset.done $0x0  }
0x84: {  	s28 =	sadd.s32 $0x1, s28;
	[sflag:s16] =	ssyncadd.s32 $0xFFFFC000  }
0x85: {  	s0 =	stileid.u32;
	s3 =	sadd.s32 $0x1, s3  }
0x86: {  	[bflag:$0x0] =	sbarrier.arrive $0xFFFF;
	s0 =	sshll.u32 s0, $0x6;
	p1 =	sne.s32 s3, s14  }
.Ltmp3:
0x87: {  	s2 =	sshrl.u32 s7, $0x3;
	s0 =	sor.u32 $0x1C03, s0;
	(pc) =	sbr.rel @p1 .LBB2_1-.Ltmp3, $4  }
0x88: {  	[hbm:s13], [sflag:s0] =	dma.local [spmem:s2], $0x2800  }
0x89: {  	_ =	swait.ge [sflag:s16], $0x2800  }
0x8a: {  	[sflag:s16] =	ssyncset.done $0x0  }
0x8b: {  	[sflag:s16] =	ssyncadd.s32 $0xFFFFD800  }
0x8c: {  	_ =	sfence.sel $0x180000  }
0x8d: {  	[bflag:$0x0] =	sbarrier.arrive $0xFFFF  }
0x8e: {  	_ =	strace $0x9000004A  }
0x8f: {  	s0 =	stileid.u32;
	[bflag:$0x2] =	sbarrier.arrive $0xFFFF  }
0x90: {  	p0 =	sne.s32 s0, $0x0;
	s0 =	rddreg [dreg:$0x2]  }
0x91: {  	s0 =	sadd.s32 @!p0 $0x100000, s0  }
0x92: {  	[sflag:s0] =	ssyncadd.tile.s32 @!p0 $0x1;
	_ =	shalt  }
.Lfunc_end2:
_tile_overlayer_lowered:
.L_overlay_start_2:
0x93: {  	(tag) =	ssettag $0x2  }
0x94: {  	s0 =	rddreg [dreg:$0x0];
	s2 =	stileid.u32  }
0x95: {  	s1 =	rddreg [dreg:$0x1];
	p0 =	sne.s32 s2, $0x0  }
0x96: {  	s3 =	rddreg [dreg:$0x2];
	[bflag:$0x3] =	sbarrier.arrive $0xFFFF;
	s2 =	simm.s32 @!p0 $0x1C03  }
0x97: {  	[timem:s3], [sflag:s2] =	dma.local @!p0 [hbm:s0], s1  }
0x98: {  	s0 =	simm.s32 @!p0 $0x3  }
0x99: {  	_ =	swait.ge @!p0 [sflag:s0], s1  }
0x9a: {  	s1 =	ssub.s32 @!p0 $0x0, s1;
	[sflag:s0] =	ssyncset.done @!p0 $0x0  }
0x9b: {  	[sflag:s0] =	ssyncadd.s32 @!p0 s1  }
0x9c: {  	[bflag:$0x3] =	sbarrier.arrive $0xFFFF  }
0x9d: {  	_ =	shalt  }

// kernel: kernel.14.cloned.1.call-start
scs
__scs_entry_jumppad:
0x0: {  	(pc) =	sbr.rel $0x88, $3  }
0x1: {  	(tag) =	ssettag $0x0;
	lr =	simm.s32 $0x1  }
0x2: {  	[smem:$0x3F9B] =	sst lr;
	_ =	strace $0xD0000000  }
0x3: {  	_ = 	snop  }
0x4: {  	_ = 	snop  }
0x5: {  	_ = 	snop  }
0x6: {  	_ = 	snop  }
0x7: {  	_ = 	snop  }
__scs_overlays_trampoline_lowered:
0x8: {  	[smem:$0x3FAA] =	sst s0  }
0x9: {  	[smem:$0x3FAB] =	sst s1  }
0xa: {  	[smem:$0x3FAC] =	sst s2  }
0xb: {  	[smem:$0x3FAD] =	sst s3  }
0xc: {  	[smem:$0x3FAE] =	sst s4  }
0xd: {  	[smem:$0x3FAF] =	sst s5  }
0xe: {  	[smem:$0x3FB0] =	sst s6  }
0xf: {  	[smem:$0x3FB1] =	sst s7  }
0x10: {  	[smem:$0x3FB2] =	sst s8  }
0x11: {  	[smem:$0x3FB3] =	sst s9;
	s0 =	simm.s32 @!p0 $0x0  }
0x12: {  	s1 =	sld [smem:$0x3F99];
	s0 =	simm.s32 @p0 $0x1  }
0x13: {  	[smem:$0x3FB4] =	sst s0;
	s0 =	simm.s32 @!p1 $0x0  }
0x14: {  	s2 =	sld [smem:$0x3F98];
	s0 =	simm.s32 @p1 $0x1  }
0x15: {  	[smem:$0x3FB5] =	sst s0;
	s0 =	simm.s32 @!p2 $0x0  }
0x16: {  	s3 =	sld [smem:$0x3FDB];
	s0 =	simm.s32 @p2 $0x1  }
0x17: {  	s4 =	simm.s32 $0x1BF5;
	[smem:$0x3FB7] =	sst s0  }
0x18: {  	s0 =	sld [smem:$0x3F9A];
	_ =	swait.ge [sflag:s4], $0x0  }
0x19: {  	s7 =	sld [smem:$0x3F9B]  }
0x1a: {  	s8 =	sadd.s32 $0xFFFFE003, lr  }
0x1b: {  	s9 =	sadd.s32 $0xFFFFFEF7, lr;
	s5 =	simm.s32 $0xFFFFFFFF;
	p2 =	slt.u32 s8, $0xFFFFF086  }
0x1c: {  	p1 =	slt.u32 s9, $0xF7A;
	s5 =	simm.s32 @!p2 $0x0  }
0x1d: {  	s5 =	simm.s32 @p1 $0x1;
	p0 =	seq.s32 s7, s2  }
0x1e: {  	s7 =	smul.u32 @!p0 $0xF7A, s2;
	p2 =	seq.s32 @!p0 s5, $0x0  }
0x1f: {  	s9 =	smul.u32 $0xF7A, s1;
	s8 =	simm.s32 @!p0 $0x1BF5;
	p2 =	por !p2, p0  }
0x20: {  	[sflag:s8] =	ssyncset.s32 @!p0 $0xFFFFF086;
	s6 =	sadd.s32 @!p0 s3, s7;
	s7 =	simm.s32 @!p0 $0x108  }
0x21: {  	s3 =	sadd.s32 s3, s9;
	s6 =	sadd.s32 @!p0 $0x88, s6;
	s7 =	simm.s32 @p2 $0x1082  }
0x22: {  	[simem:s7], [sflag:s8] =	dma.local @!p0 [hbm:s6], $0xF7A  }
0x23: {  	s9 =	sor.u32 $0xD0000000, s2;
	s6 =	simm.s32 $0x108;
	_ =	swait.ge @!p0 [sflag:s8], $0x0  }
0x24: {  	s3 =	sadd.s32 $0x88, s3;
	s6 =	simm.s32 @!p1 $0x1082;
	[sflag:s4] =	ssyncset.s32 $0xFFFFF086  }
0x25: {  	[simem:s6], [sflag:s4] =	dma.local [hbm:s3], $0xF7A  }
0x26: {  	[smem:$0x3F9B] =	sst s1;
	(tag) =	ssettag s2;
	_ =	strace s9  }
0x27: {  	s1 =	sld [smem:$0x3FAB]  }
0x28: {  	s2 =	sld [smem:$0x3FAC]  }
0x29: {  	s4 =	sld [smem:$0x3FAE]  }
0x2a: {  	p0 =	seq.s32 s5, $0x0;
	s5 =	sld [smem:$0x3FAF]  }
0x2b: {  	s6 =	sld [smem:$0x3FB0]  }
0x2c: {  	s7 =	sld [smem:$0x3FB1]  }
0x2d: {  	s3 =	simm.s32 $0x108;
	s8 =	sld [smem:$0x3FB2]  }
0x2e: {  	s3 =	simm.s32 @!p0 $0x1082;
	s9 =	sld [smem:$0x3FB3]  }
0x2f: {  	lr =	sadd.s32 s0, s3;
	s0 =	sld [smem:$0x3FAA]  }
0x30: {  	s3 =	sld [smem:$0x3FAD]  }
0x31: {  	[smem:$0x3FB6] =	sst s10  }
0x32: {  	s10 =	sld [smem:$0x3FB4];
	_ =	sdelay $0x3  }
0x33: {  	p0 =	seq.s32 s10, $0x1;
	s10 =	sld [smem:$0x3FB6];
	_ =	sdelay $0x3  }
0x34: {  	[smem:$0x3FB6] =	sst s10  }
0x35: {  	s10 =	sld [smem:$0x3FB5];
	_ =	sdelay $0x3  }
0x36: {  	p1 =	seq.s32 s10, $0x1;
	s10 =	sld [smem:$0x3FB6];
	_ =	sdelay $0x3  }
0x37: {  	[smem:$0x3FB6] =	sst s10  }
0x38: {  	s10 =	sld [smem:$0x3FB7]  }
0x39: {  	_ = 	snop;
	(pc) =	sbr.ind lr, $3  }
0x3a: {  	_ = 	snop  }
0x3b: {  	_ = 	snop  }
0x3c: {  	p2 =	seq.s32 s10, $0x1;
	s10 =	sld [smem:$0x3FB6]  }
0x3d: {  	_ =	shalt  }
0x3e: {  	_ =	shalt  }
0x3f: {  	_ =	shalt  }
0x40: {  	_ =	shalt  }
0x41: {  	_ =	shalt  }
0x42: {  	_ =	shalt  }
0x43: {  	_ =	shalt  }
0x44: {  	_ =	shalt  }
0x45: {  	_ =	shalt  }
0x46: {  	_ =	shalt  }
0x47: {  	_ =	shalt  }
0x48: {  	_ =	shalt  }
0x49: {  	_ =	shalt  }
0x4a: {  	_ =	shalt  }
0x4b: {  	_ =	shalt  }
0x4c: {  	_ =	shalt  }
0x4d: {  	_ =	shalt  }
0x4e: {  	_ =	shalt  }
0x4f: {  	_ =	shalt  }
0x50: {  	_ =	shalt  }
0x51: {  	_ =	shalt  }
0x52: {  	_ =	shalt  }
0x53: {  	_ =	shalt  }
0x54: {  	_ =	shalt  }
0x55: {  	_ =	shalt  }
0x56: {  	_ =	shalt  }
0x57: {  	_ =	shalt  }
0x58: {  	_ =	shalt  }
0x59: {  	_ =	shalt  }
0x5a: {  	_ =	shalt  }
0x5b: {  	_ =	shalt  }
0x5c: {  	_ =	shalt  }
0x5d: {  	_ =	shalt  }
0x5e: {  	_ =	shalt  }
0x5f: {  	_ =	shalt  }
0x60: {  	_ =	shalt  }
0x61: {  	_ =	shalt  }
0x62: {  	_ =	shalt  }
0x63: {  	_ =	shalt  }
0x64: {  	_ =	shalt  }
0x65: {  	_ =	shalt  }
0x66: {  	_ =	shalt  }
0x67: {  	_ =	shalt  }
0x68: {  	_ =	shalt  }
0x69: {  	_ =	shalt  }
0x6a: {  	_ =	shalt  }
0x6b: {  	_ =	shalt  }
0x6c: {  	_ =	shalt  }
0x6d: {  	_ =	shalt  }
0x6e: {  	_ =	shalt  }
0x6f: {  	_ =	shalt  }
0x70: {  	_ =	shalt  }
0x71: {  	_ =	shalt  }
0x72: {  	_ =	shalt  }
0x73: {  	_ =	shalt  }
0x74: {  	_ =	shalt  }
0x75: {  	_ =	shalt  }
0x76: {  	_ =	shalt  }
0x77: {  	_ =	shalt  }
0x78: {  	_ =	shalt  }
0x79: {  	_ =	shalt  }
0x7a: {  	_ =	shalt  }
0x7b: {  	_ =	shalt  }
0x7c: {  	_ =	shalt  }
0x7d: {  	_ =	shalt  }
0x7e: {  	_ =	shalt  }
0x7f: {  	_ =	shalt  }
0x80: {  	_ =	shalt  }
0x81: {  	_ =	shalt  }
0x82: {  	_ =	shalt  }
0x83: {  	_ =	shalt  }
0x84: {  	_ =	shalt  }
0x85: {  	_ =	shalt  }
0x86: {  	_ =	shalt  }
0x87: {  	_ =	shalt  }
.Lfunc_end0:
.L_simem_size_0:
called_computation.2_lowered:
.L_overlay_start_0:
0x88: {  	s2 =	sld [smem:$0x3FD9]  }
0x89: {  	s3 =	sld [smem:$0x3FFE];
	_ =	sdelay $0x1  }
0x8a: {  	s1 =	srdreg.scid  }
0x8b: {  	s0 =	sand.u32 $0x1, s1  }
0x8c: {  	s16 =	sshll.u32 s0, $0xA;
	s2 =	sadd.s32 s3, s2  }
0x8d: {  	s2 =	sadd.s32 s2, s16  }
0x8e: {  	[smem:$0x3FC2] =	sst s2  }
0x8f: {  	_ = 	snop  }
0x90: {  	(tm) =	ssettm $0x1  }
0x91: {  	s17 =	sld [smem:$0x3FFB];
	_ =	sdelay $0x3  }
0x92: {  	_ =	strace s17  }
0x93: {  	s2 =	sld [smem:$0x3FFC];
	_ =	sdelay $0x3  }
0x94: {  	_ =	strace s2  }
0x95: {  	s2 =	sld [smem:$0x3FFD];
	_ =	sdelay $0x3  }
0x96: {  	_ =	strace s2  }
0x97: {  	_ =	strace $0x8FFFFFFF  }
0x98: {  	s18 =	sld [smem:$0x3FDB];
	_ =	sdelay $0x1  }
0x99: {  	s19 =	simm.s32 $_scs_section_size  }
0x9a: {  	s4 =	simm.s32 $_size__tile_overlayer_lowered;
	s5 =	simm.s32 $_tile_overlayer_lowered  }
0x9b: {  	s22 =	simm.s32 $0x1BFF;
	s21 =	sshll.u32 s5, $0x1;
	s2 =	sadd.s32 s19, s18  }
0x9c: {  	s6 =	simm.s32 $0x0;
	s20 =	sshll.u32 s4, $0x1;
	s4 =	sadd.s32 s21, s2  }
0x9d: {  	[timem:s6], [sflag:s22] =	dma.local [hbm:s4], s20  }
0x9e: {  	_ =	swait.ge [sflag:s22], s20  }
0x9f: {  	s3 =	ssub.s32 $0x0, s20;
	[sflag:s22] =	ssyncset.done $0x0  }
0xa0: {  	[sflag:s22] =	ssyncadd.s32 s3;
	_ =	sdelay $0x1  }
0xa1: {  	s23 =	simm.s32 $0x1B8B  }
0xa2: {  	_ =	swait.ge [sflag:s23], $0x1  }
0xa3: {  	[sflag:s23] =	ssyncset.done $0x0  }
0xa4: {  	s25 =	simm.s32 $0x1B8E;
	s24 =	sld [smem:$0x3FFE];
	[sflag:s23] =	ssyncadd.s32 $0xFFFFFFFF  }
0xa5: {  	s26 =	simm.s32 $execute0_lowered;
	[smem:$0x3FD2] =	sst s25  }
0xa6: {  	s4 =	sshll.u32 s26, $0x1;
	_ =	strace $0x8000004C;
	[dreg:$0x1] =	wrdreg $0xFFFFFFFF  }
0xa7: {  	s28 =	simm.s32 $_size_execute0_lowered;
	s2 =	sadd.s32 s2, s4;
	[dreg:$0x0] =	wrdreg $0x0  }
0xa8: {  	s4 =	sshll.u32 s28, $0x1;
	[dreg:$0x2] =	wrdreg s2  }
0xa9: {  	[dreg:$0x3] =	wrdreg s4  }
0xaa: {  	[dreg:$0x4] =	wrdreg $0xC0  }
0xab: {  	_ =	task [dreg:s6], $0x5FFFF  }
0xac: {  	[dreg:$0x1] =	wrdreg $0xFFFFFFFF  }
0xad: {  	[dreg:$0x0] =	wrdreg $0x60  }
0xae: {  	[dreg:$0x2] =	wrdreg s24  }
0xaf: {  	[dreg:$0x3] =	wrdreg $0x0  }
0xb0: {  	[dreg:$0x4] =	wrdreg $0x9  }
0xb1: {  	_ =	task.clear_ibuf [dreg:s6], $0x5FFFF;
	_ =	strace $0x9000004C  }
0xb2: {  	s29 =	simm.s32 $0x9;
	_ =	strace $0x8000004E  }
0xb3: {  	_ =	swait.ge [sflag:s29], $0x1  }
0xb4: {  	[sflag:s29] =	ssyncadd.s32 $0xFFFFFFFF  }
0xb5: {  	_ =	strace $0x9000004E  }
0xb6: {  	_ =	sfence  }
0xb7: {  	s30 =	sld [smem:$0x0];
	_ =	sdelay $0x2  }
0xb8: {  	s31 =	sshll.u32 s1, $0xD;
	s1 =	sshrl.u32 s1, $0x2  }
0xb9: {  	s3 =	sand.u32 $0x4000, s31;
	s1 =	sadd.s32 s1, s30  }
0xba: {  	s0 =	sor.u32 s3, s0;
	s1 =	sshll.u32 s1, $0x11  }
0xbb: {  	s0 =	sor.u32 s1, s0  }
0xbc: {  	s0 =	sadd.s32 $0x8F2B, s0  }
0xbd: {  	[sflag:s0] =	ssyncadd.remote.s32 $0x1  }
0xbe: {  	_ =	sfence.sel $0xFFFF  }
0xbf: {  	[dreg:$0x0] =	wrdreg $0xFFFFFFFF;
	(pc) =	sbr.abs _section_cstart, $3  }
0xc0: {  	[dreg:$0x1] =	wrdreg $0xFFFFFFFF  }
0xc1: {  	_ =	task.clear_ibuf [dreg:s6], $0x2FFFF;
	_ =	strace $0x9FFFFFFF  }
0xc2: {  	(tm) =	ssettm $0x7FFFFFFF  }
0xc3: {  	_ =	shalt  }
tec
execute0_lowered:
.L_overlay_start_1:
0x0: {  	(tag) =	ssettag $0x1  }
0x1: {  	s7 =	rddreg [dreg:$0x0]  }
0x2: {  	s1 =	rddreg [dreg:$0x1];
	s2 =	srdreg.scid  }
0x3: {  	s3 =	simm.s32 $0x0;
	s0 =	stileid.u32;
	s16 =	simm.s32 $0x3  }
0x4: {  	s17 =	simm.s32 $0x14000;
	s18 =	simm.s32 $0x15400;
	s19 =	simm.s32 $0x80  }
0x5: {  	s20 =	simm.s32 $0x1A800;
	s21 =	simm.s32 $0x1;
	s9 =	smul.u32 $0x14000, s0  }
0x6: {  	s22 =	simm.s32 $0x2;
	s24 =	simm.s32 $0x16700;
	s10 =	smul.u32 $0x50000, s0  }
0x7: {  	s25 =	simm.s32 $0x16780;
	s23 =	sand.u32 $0x1, s2;
	s12 =	smul.u32 $0x28, s0  }
0x8: {  	[smem:$0x7FF] =	sst s3;
	s4 =	sadd.s32 $0x16800, s7;
	s15 =	smul.u32 $0x78, s0  }
0x9: {  	s5 =	sadd.s32 $0xC800, s7;
	s6 =	sadd.s32 $0x2800, s7;
	s8 =	smul.u32 $0x140000, s23  }
0xa: {  	_ =	strace $0x8000004D;
	s30 =	ssub.s32 $0x2, s23;
	p0 =	seq.s32 s23, $0x0  }
0xb: {  	s10 =	sshrl.u32 s10, $0x2;
	s31 =	sshrl.u32 s30, $0x1;
	s12 =	sadd.s32 $0x780, s12  }
0xc: {  	s8 =	sadd.s32 s9, s8;
	s14 =	ssub.s32 s30, s31;
	s12 =	smov.u32 @p0 s15  }
0xd: {  	s15 =	simm.s32 $0x16800;
	p0 =	sne.s32 s23, $0x0;
	s8 =	sshrl.u32 s8, $0x3  }
0xe: {  	s23 =	simm.s32 $0x15380;
	s13 =	sadd.s32 s8, s7;
	s7 =	sadd.s32 s10, s1  }
0xf: {  	s14 =	smax.u32 s14, $0x1;
	s8 =	sadd.s32 $0x4000, s7;
	s9 =	sadd.s32 $0x8000, s7  }
0x10: {  	v0 =	vimm.f32 $0.0e+00;
	s10 =	sadd.s32 $0xC000, s7;
	s11 =	sadd.s32 $0x10000, s7;
	s13 =	sadd.s32 $0x3E800, s13  }
.LBB2_1:
0x11: {  	s26 =	simm.s32 $0x0;
	s28 =	simm.s32 $0x200  }
.LBB2_2:
0x12: {  	p1 =	sne.s32 s28, $0xFE00;
	[tilespmem:s26+$0x16870] =	vst v0  }
0x13: {  	[tilespmem:s26+$0x16800] =	vst v0  }
0x14: {  	[tilespmem:s26+$0x16810] =	vst v0  }
.Ltmp0:
0x15: {  	[tilespmem:s26+$0x16820] =	vst v0;
	(pc) =	sbr.rel @p1 .LBB2_2-.Ltmp0, $4  }
0x16: {  	[tilespmem:s26+$0x16830] =	vst v0  }
0x17: {  	[tilespmem:s26+$0x16840] =	vst v0  }
0x18: {  	[tilespmem:s26+$0x16850] =	vst v0  }
0x19: {  	[tilespmem:s26+$0x16860] =	vst v0;
	s26 =	sshra.s32 s28, $0x2;
	s28 =	sadd.s32 $0x200, s28  }
0x1a: {  	[tilespmem:s26+$0x16870] =	vst v0  }
0x1b: {  	[tilespmem:s26+$0x16800] =	vst v0  }
0x1c: {  	[tilespmem:s26+$0x16810] =	vst v0  }
0x1d: {  	[tilespmem:s26+$0x16820] =	vst v0  }
0x1e: {  	[tilespmem:s26+$0x16830] =	vst v0  }
0x1f: {  	[tilespmem:s26+$0x16840] =	vst v0  }
0x20: {  	[tilespmem:s26+$0x16850] =	vst v0  }
0x21: {  	[tilespmem:s26+$0x16860] =	vst v0  }
0x22: {  	[spmem:s7] =	stream.linear.scatter [tilespmem:s15], [sflag:$0x3], $0x4000, $0x38;
	[tilespmem:$0x1E800] =	vst v63  }
0x23: {  	_ =	swait.ge [sflag:s16], $0x4000  }
0x24: {  	[sflag:s16] =	ssyncset.done $0x0  }
0x25: {  	[sflag:s16] =	ssyncadd.s32 $0xFFFFC000  }
0x26: {  	[spmem:s8] =	stream.linear.scatter [tilespmem:s15], [sflag:$0x3], $0x4000, $0x38;
	[tilespmem:$0x1E800] =	vst v63  }
0x27: {  	_ =	swait.ge [sflag:s16], $0x4000  }
0x28: {  	[sflag:s16] =	ssyncset.done $0x0  }
0x29: {  	[sflag:s16] =	ssyncadd.s32 $0xFFFFC000  }
0x2a: {  	[spmem:s9] =	stream.linear.scatter [tilespmem:s15], [sflag:$0x3], $0x4000, $0x38;
	[tilespmem:$0x1E800] =	vst v63  }
0x2b: {  	_ =	swait.ge [sflag:s16], $0x4000  }
0x2c: {  	[sflag:s16] =	ssyncset.done $0x0  }
0x2d: {  	[sflag:s16] =	ssyncadd.s32 $0xFFFFC000  }
0x2e: {  	[spmem:s10] =	stream.linear.scatter [tilespmem:s15], [sflag:$0x3], $0x4000, $0x38;
	[tilespmem:$0x1E800] =	vst v63  }
0x2f: {  	_ =	swait.ge [sflag:s16], $0x4000  }
0x30: {  	[sflag:s16] =	ssyncset.done $0x0  }
0x31: {  	[sflag:s16] =	ssyncadd.s32 $0xFFFFC000  }
0x32: {  	[spmem:s11] =	stream.linear.scatter [tilespmem:s15], [sflag:$0x3], $0x4000, $0x38;
	[tilespmem:$0x1E800] =	vst v63  }
0x33: {  	_ =	swait.ge [sflag:s16], $0x4000  }
0x34: {  	[sflag:s16] =	ssyncset.done $0x0  }
0x35: {  	[sflag:s16] =	ssyncadd.s32 $0xFFFFC000  }
0x36: {  	s26 =	simm.s32 $0x0;
	s28 =	simm.s32 $0x0;
	[bflag:$0x0] =	sbarrier.arrive $0xFFFF  }
.LBB2_4:
0x37: {  	s29 =	smul.u32 $0x28, s28;
	_ =	sdelay $0x1  }
0x38: {  	s29 =	sadd.s32 s12, s29  }
0x39: {  	s29 =	sshll.u32 s29, $0x4  }
0x3a: {  	s30 =	sadd.s32 s5, s29  }
0x3b: {  	[tilespmem:s17], [sflag:$0x3] =	stream.linear.gather [hbm4b:s30+s26], $0x1400, $0x38;
	[tilespmem:$0x1E800] =	vst v63  }
0x3c: {  	_ =	swait.ge [sflag:s16], $0x1400  }
0x3d: {  	[sflag:s16] =	ssyncset.done $0x0  }
0x3e: {  	s29 =	sadd.s32 s6, s29;
	[sflag:s16] =	ssyncadd.s32 $0xFFFFEC00  }
0x3f: {  	[tilespmem:s18], [sflag:$0x3] =	stream.linear.gather [hbm4b:s29+s26], $0x1400, $0x38;
	[tilespmem:$0x1E800] =	vst v63  }
0x40: {  	_ =	swait.ge [sflag:s16], $0x1400  }
0x41: {  	[sflag:s16] =	ssyncset.done $0x0  }
0x42: {  	[sflag:s16] =	ssyncadd.s32 $0xFFFFEC00  }
0x43: {  	[tilespmem:s15], [sflag:$0x1] =	stream.indirect.gather [hbm4b:s4+s19], $0x80, s17, s19, $0xb8;
	[tilespmem:$0x1E800] =	vst v63  }
0x44: {  	s29 =	simm.s32 $0x14080  }
0x45: {  	[tilespmem:s20], [sflag:$0x2] =	stream.indirect.gather [hbm4b:s4+s19], $0x80, s29, s19, $0xb8;
	[tilespmem:$0x1E800] =	vst v63  }
0x46: {  	_ =	swait.ge [sflag:s21], $0x4000  }
0x47: {  	[sflag:s21] =	ssyncset.done $0x0  }
0x48: {  	s29 =	simm.s32 $0x15400;
	[sflag:s21] =	ssyncadd.s32 $0xFFFFC000  }
0x49: {  	[spmem:s1] =	stream.indirect.scatter.add.f32 [tilespmem:s15], [sflag:$0x3], $0x80, s29, s19, $0xb8;
	[tilespmem:$0x1E800] =	vst v63  }
0x4a: {  	_ =	swait.ge [sflag:s16], $0x4000  }
0x4b: {  	[sflag:s16] =	ssyncset.done $0x0  }
0x4c: {  	s29 =	simm.s32 $0x14100;
	[sflag:s16] =	ssyncadd.s32 $0xFFFFC000  }
0x4d: {  	[tilespmem:s15], [sflag:$0x1] =	stream.indirect.gather [hbm4b:s4+s19], $0x80, s29, s19, $0xb8;
	[tilespmem:$0x1E800] =	vst v63  }
0x4e: {  	_ =	swait.ge [sflag:s22], $0x4000  }
0x4f: {  	[sflag:s22] =	ssyncset.done $0x0  }
0x50: {  	s29 =	simm.s32 $0x15480;
	[sflag:s22] =	ssyncadd.s32 $0xFFFFC000  }
0x51: {  	[spmem:s1] =	stream.indirect.scatter.add.f32 [tilespmem:s20], [sflag:$0x3], $0x80, s29, s19, $0xb8;
	[tilespmem:$0x1E800] =	vst v63  }
0x52: {  	_ =	swait.ge [sflag:s16], $0x4000  }
0x53: {  	s30 =	simm.s32 $0x800;
	s29 =	simm.s32 $0x100;
	[sflag:s16] =	ssyncset.done $0x0  }
.LBB2_5:
0x54: {  	s31 =	sadd.s32 $0x14080, s29  }
0x55: {  	[sflag:s16] =	ssyncadd.s32 $0xFFFFC000;
	s0 =	smov.u32 s30;
	s2 =	sadd.s32 $0x400, s30  }
0x56: {  	[tilespmem:s20], [sflag:$0x2] =	stream.indirect.gather [hbm4b:s4+s19], $0x80, s31, s19, $0xb8;
	[tilespmem:$0x1E800] =	vst v63  }
0x57: {  	p1 =	sne.s32 s30, $0x4800;
	_ =	swait.ge [sflag:s21], $0x4000  }
0x58: {  	[sflag:s21] =	ssyncset.done $0x0  }
0x59: {  	s30 =	sadd.s32 $0x15400, s29;
	[sflag:s21] =	ssyncadd.s32 $0xFFFFC000  }
0x5a: {  	[spmem:s1] =	stream.indirect.scatter.add.f32 [tilespmem:s15], [sflag:$0x3], $0x80, s30, s19, $0xb8;
	[tilespmem:$0x1E800] =	vst v63  }
0x5b: {  	_ =	swait.ge [sflag:s16], $0x4000  }
0x5c: {  	[sflag:s16] =	ssyncset.done $0x0  }
0x5d: {  	s30 =	sadd.s32 $0x14100, s29;
	[sflag:s16] =	ssyncadd.s32 $0xFFFFC000  }
0x5e: {  	[tilespmem:s15], [sflag:$0x1] =	stream.indirect.gather [hbm4b:s4+s19], $0x80, s30, s19, $0xb8;
	[tilespmem:$0x1E800] =	vst v63  }
0x5f: {  	_ =	swait.ge [sflag:s22], $0x4000  }
.Ltmp1:
0x60: {  	[sflag:s22] =	ssyncset.done $0x0;
	(pc) =	sbr.rel @p1 .LBB2_5-.Ltmp1, $4  }
0x61: {  	s29 =	sadd.s32 $0x15480, s29;
	[sflag:s22] =	ssyncadd.s32 $0xFFFFC000  }
0x62: {  	[spmem:s1] =	stream.indirect.scatter.add.f32 [tilespmem:s20], [sflag:$0x3], $0x80, s29, s19, $0xb8;
	[tilespmem:$0x1E800] =	vst v63  }
0x63: {  	_ =	swait.ge [sflag:s16], $0x4000  }
0x64: {  	s30 =	smov.u32 s2;
	s29 =	sshra.s32 s0, $0x2;
	[sflag:s16] =	ssyncset.done $0x0  }
0x65: {  	s0 =	sadd.s32 $0x14080, s29;
	[sflag:s16] =	ssyncadd.s32 $0xFFFFC000  }
0x66: {  	[tilespmem:s20], [sflag:$0x2] =	stream.indirect.gather [hbm4b:s4+s19], $0x80, s0, s19, $0xb8;
	[tilespmem:$0x1E800] =	vst v63  }
0x67: {  	_ =	swait.ge [sflag:s21], $0x4000  }
0x68: {  	[sflag:s21] =	ssyncset.done $0x0  }
0x69: {  	s2 =	sadd.s32 $0x15400, s29;
	[sflag:s21] =	ssyncadd.s32 $0xFFFFC000  }
0x6a: {  	[spmem:s1] =	stream.indirect.scatter.add.f32 [tilespmem:s15], [sflag:$0x3], $0x80, s2, s19, $0xb8;
	[tilespmem:$0x1E800] =	vst v63  }
0x6b: {  	_ =	swait.ge [sflag:s16], $0x4000  }
0x6c: {  	[sflag:s16] =	ssyncset.done $0x0  }
0x6d: {  	s30 =	sadd.s32 $0x14100, s29;
	[sflag:s16] =	ssyncadd.s32 $0xFFFFC000  }
0x6e: {  	[tilespmem:s15], [sflag:$0x1] =	stream.indirect.gather [hbm4b:s4+s19], $0x80, s30, s19, $0xb8;
	[tilespmem:$0x1E800] =	vst v63  }
0x6f: {  	_ =	swait.ge [sflag:s22], $0x4000  }
0x70: {  	[sflag:s22] =	ssyncset.done $0x0  }
0x71: {  	s31 =	sadd.s32 $0x15480, s29;
	[sflag:s22] =	ssyncadd.s32 $0xFFFFC000  }
0x72: {  	[spmem:s1] =	stream.indirect.scatter.add.f32 [tilespmem:s20], [sflag:$0x3], $0x80, s31, s19, $0xb8;
	[tilespmem:$0x1E800] =	vst v63  }
0x73: {  	_ =	swait.ge [sflag:s16], $0x4000  }
0x74: {  	[sflag:s16] =	ssyncset.done $0x0  }
0x75: {  	[sflag:s16] =	ssyncadd.s32 $0xFFFFC000  }
0x76: {  	[tilespmem:s20], [sflag:$0x2] =	stream.indirect.gather [hbm4b:s4+s19], $0x80, s23, s19, $0xb8;
	[tilespmem:$0x1E800] =	vst v63  }
0x77: {  	_ =	swait.ge [sflag:s21], $0x4000  }
0x78: {  	[sflag:s21] =	ssyncset.done $0x0  }
0x79: {  	[sflag:s21] =	ssyncadd.s32 $0xFFFFC000  }
0x7a: {  	[spmem:s1] =	stream.indirect.scatter.add.f32 [tilespmem:s15], [sflag:$0x3], $0x80, s24, s19, $0xb8;
	[tilespmem:$0x1E800] =	vst v63  }
0x7b: {  	_ =	swait.ge [sflag:s16], $0x4000  }
0x7c: {  	[sflag:s16] =	ssyncset.done $0x0  }
0x7d: {  	[sflag:s16] =	ssyncadd.s32 $0xFFFFC000  }
0x7e: {  	p1 =	slt.u32 @!p0 s28, $0x2;
	_ =	swait.ge [sflag:s22], $0x4000  }
0x7f: {  	p1 =	por p0, !p1;
	[sflag:s22] =	ssyncset.done $0x0  }
.Ltmp2:
0x80: {  	[sflag:s22] =	ssyncadd.s32 $0xFFFFC000;
	(pc) =	sbr.rel @!p1 .LBB2_4-.Ltmp2, $4  }
0x81: {  	[spmem:s1] =	stream.indirect.scatter.add.f32 [tilespmem:s20], [sflag:$0x3], $0x80, s25, s19, $0xb8;
	[tilespmem:$0x1E800] =	vst v63  }
0x82: {  	_ =	swait.ge [sflag:s16], $0x4000  }
0x83: {  	[sflag:s16] =	ssyncset.done $0x0  }
0x84: {  	s28 =	sadd.s32 $0x1, s28;
	[sflag:s16] =	ssyncadd.s32 $0xFFFFC000  }
0x85: {  	s0 =	stileid.u32;
	s3 =	sadd.s32 $0x1, s3  }
0x86: {  	[bflag:$0x0] =	sbarrier.arrive $0xFFFF;
	s0 =	sshll.u32 s0, $0x6;
	p1 =	sne.s32 s3, s14  }
.Ltmp3:
0x87: {  	s2 =	sshrl.u32 s7, $0x3;
	s0 =	sor.u32 $0x1C03, s0;
	(pc) =	sbr.rel @p1 .LBB2_1-.Ltmp3, $4  }
0x88: {  	[hbm:s13], [sflag:s0] =	dma.local [spmem:s2], $0x2800  }
0x89: {  	_ =	swait.ge [sflag:s16], $0x2800  }
0x8a: {  	[sflag:s16] =	ssyncset.done $0x0  }
0x8b: {  	[sflag:s16] =	ssyncadd.s32 $0xFFFFD800  }
0x8c: {  	_ =	sfence.sel $0x180000  }
0x8d: {  	[bflag:$0x0] =	sbarrier.arrive $0xFFFF  }
0x8e: {  	_ =	strace $0x9000004D  }
0x8f: {  	s0 =	stileid.u32;
	[bflag:$0x2] =	sbarrier.arrive $0xFFFF  }
0x90: {  	p0 =	sne.s32 s0, $0x0;
	s0 =	rddreg [dreg:$0x2]  }
0x91: {  	s0 =	sadd.s32 @!p0 $0x100000, s0  }
0x92: {  	[sflag:s0] =	ssyncadd.tile.s32 @!p0 $0x1;
	_ =	shalt  }
.Lfunc_end2:
_tile_overlayer_lowered:
.L_overlay_start_2:
0x93: {  	(tag) =	ssettag $0x2  }
0x94: {  	s0 =	rddreg [dreg:$0x0];
	s2 =	stileid.u32  }
0x95: {  	s1 =	rddreg [dreg:$0x1];
	p0 =	sne.s32 s2, $0x0  }
0x96: {  	s3 =	rddreg [dreg:$0x2];
	[bflag:$0x3] =	sbarrier.arrive $0xFFFF;
	s2 =	simm.s32 @!p0 $0x1C03  }
0x97: {  	[timem:s3], [sflag:s2] =	dma.local @!p0 [hbm:s0], s1  }
0x98: {  	s0 =	simm.s32 @!p0 $0x3  }
0x99: {  	_ =	swait.ge @!p0 [sflag:s0], s1  }
0x9a: {  	s1 =	ssub.s32 @!p0 $0x0, s1;
	[sflag:s0] =	ssyncset.done @!p0 $0x0  }
0x9b: {  	[sflag:s0] =	ssyncadd.s32 @!p0 s1  }
0x9c: {  	[bflag:$0x3] =	sbarrier.arrive $0xFFFF  }
0x9d: {  	_ =	shalt  }

// kernel: kernel.8.cloned.1.call-start
scs
__scs_entry_jumppad:
0x0: {  	(pc) =	sbr.rel $0x88, $3  }
0x1: {  	(tag) =	ssettag $0x0;
	lr =	simm.s32 $0x1  }
0x2: {  	[smem:$0x3F9B] =	sst lr;
	_ =	strace $0xD0000000  }
0x3: {  	_ = 	snop  }
0x4: {  	_ = 	snop  }
0x5: {  	_ = 	snop  }
0x6: {  	_ = 	snop  }
0x7: {  	_ = 	snop  }
__scs_overlays_trampoline_lowered:
0x8: {  	[smem:$0x3FAA] =	sst s0  }
0x9: {  	[smem:$0x3FAB] =	sst s1  }
0xa: {  	[smem:$0x3FAC] =	sst s2  }
0xb: {  	[smem:$0x3FAD] =	sst s3  }
0xc: {  	[smem:$0x3FAE] =	sst s4  }
0xd: {  	[smem:$0x3FAF] =	sst s5  }
0xe: {  	[smem:$0x3FB0] =	sst s6  }
0xf: {  	[smem:$0x3FB1] =	sst s7  }
0x10: {  	[smem:$0x3FB2] =	sst s8  }
0x11: {  	[smem:$0x3FB3] =	sst s9;
	s0 =	simm.s32 @!p0 $0x0  }
0x12: {  	s1 =	sld [smem:$0x3F99];
	s0 =	simm.s32 @p0 $0x1  }
0x13: {  	[smem:$0x3FB4] =	sst s0;
	s0 =	simm.s32 @!p1 $0x0  }
0x14: {  	s2 =	sld [smem:$0x3F98];
	s0 =	simm.s32 @p1 $0x1  }
0x15: {  	[smem:$0x3FB5] =	sst s0;
	s0 =	simm.s32 @!p2 $0x0  }
0x16: {  	s3 =	sld [smem:$0x3FDB];
	s0 =	simm.s32 @p2 $0x1  }
0x17: {  	s4 =	simm.s32 $0x1BF5;
	[smem:$0x3FB7] =	sst s0  }
0x18: {  	s0 =	sld [smem:$0x3F9A];
	_ =	swait.ge [sflag:s4], $0x0  }
0x19: {  	s7 =	sld [smem:$0x3F9B]  }
0x1a: {  	s8 =	sadd.s32 $0xFFFFE003, lr  }
0x1b: {  	s9 =	sadd.s32 $0xFFFFFEF7, lr;
	s5 =	simm.s32 $0xFFFFFFFF;
	p2 =	slt.u32 s8, $0xFFFFF086  }
0x1c: {  	p1 =	slt.u32 s9, $0xF7A;
	s5 =	simm.s32 @!p2 $0x0  }
0x1d: {  	s5 =	simm.s32 @p1 $0x1;
	p0 =	seq.s32 s7, s2  }
0x1e: {  	s7 =	smul.u32 @!p0 $0xF7A, s2;
	p2 =	seq.s32 @!p0 s5, $0x0  }
0x1f: {  	s9 =	smul.u32 $0xF7A, s1;
	s8 =	simm.s32 @!p0 $0x1BF5;
	p2 =	por !p2, p0  }
0x20: {  	[sflag:s8] =	ssyncset.s32 @!p0 $0xFFFFF086;
	s6 =	sadd.s32 @!p0 s3, s7;
	s7 =	simm.s32 @!p0 $0x108  }
0x21: {  	s3 =	sadd.s32 s3, s9;
	s6 =	sadd.s32 @!p0 $0x88, s6;
	s7 =	simm.s32 @p2 $0x1082  }
0x22: {  	[simem:s7], [sflag:s8] =	dma.local @!p0 [hbm:s6], $0xF7A  }
0x23: {  	s9 =	sor.u32 $0xD0000000, s2;
	s6 =	simm.s32 $0x108;
	_ =	swait.ge @!p0 [sflag:s8], $0x0  }
0x24: {  	s3 =	sadd.s32 $0x88, s3;
	s6 =	simm.s32 @!p1 $0x1082;
	[sflag:s4] =	ssyncset.s32 $0xFFFFF086  }
0x25: {  	[simem:s6], [sflag:s4] =	dma.local [hbm:s3], $0xF7A  }
0x26: {  	[smem:$0x3F9B] =	sst s1;
	(tag) =	ssettag s2;
	_ =	strace s9  }
0x27: {  	s1 =	sld [smem:$0x3FAB]  }
0x28: {  	s2 =	sld [smem:$0x3FAC]  }
0x29: {  	s4 =	sld [smem:$0x3FAE]  }
0x2a: {  	p0 =	seq.s32 s5, $0x0;
	s5 =	sld [smem:$0x3FAF]  }
0x2b: {  	s6 =	sld [smem:$0x3FB0]  }
0x2c: {  	s7 =	sld [smem:$0x3FB1]  }
0x2d: {  	s3 =	simm.s32 $0x108;
	s8 =	sld [smem:$0x3FB2]  }
0x2e: {  	s3 =	simm.s32 @!p0 $0x1082;
	s9 =	sld [smem:$0x3FB3]  }
0x2f: {  	lr =	sadd.s32 s0, s3;
	s0 =	sld [smem:$0x3FAA]  }
0x30: {  	s3 =	sld [smem:$0x3FAD]  }
0x31: {  	[smem:$0x3FB6] =	sst s10  }
0x32: {  	s10 =	sld [smem:$0x3FB4];
	_ =	sdelay $0x3  }
0x33: {  	p0 =	seq.s32 s10, $0x1;
	s10 =	sld [smem:$0x3FB6];
	_ =	sdelay $0x3  }
0x34: {  	[smem:$0x3FB6] =	sst s10  }
0x35: {  	s10 =	sld [smem:$0x3FB5];
	_ =	sdelay $0x3  }
0x36: {  	p1 =	seq.s32 s10, $0x1;
	s10 =	sld [smem:$0x3FB6];
	_ =	sdelay $0x3  }
0x37: {  	[smem:$0x3FB6] =	sst s10  }
0x38: {  	s10 =	sld [smem:$0x3FB7]  }
0x39: {  	_ = 	snop;
	(pc) =	sbr.ind lr, $3  }
0x3a: {  	_ = 	snop  }
0x3b: {  	_ = 	snop  }
0x3c: {  	p2 =	seq.s32 s10, $0x1;
	s10 =	sld [smem:$0x3FB6]  }
0x3d: {  	_ =	shalt  }
0x3e: {  	_ =	shalt  }
0x3f: {  	_ =	shalt  }
0x40: {  	_ =	shalt  }
0x41: {  	_ =	shalt  }
0x42: {  	_ =	shalt  }
0x43: {  	_ =	shalt  }
0x44: {  	_ =	shalt  }
0x45: {  	_ =	shalt  }
0x46: {  	_ =	shalt  }
0x47: {  	_ =	shalt  }
0x48: {  	_ =	shalt  }
0x49: {  	_ =	shalt  }
0x4a: {  	_ =	shalt  }
0x4b: {  	_ =	shalt  }
0x4c: {  	_ =	shalt  }
0x4d: {  	_ =	shalt  }
0x4e: {  	_ =	shalt  }
0x4f: {  	_ =	shalt  }
0x50: {  	_ =	shalt  }
0x51: {  	_ =	shalt  }
0x52: {  	_ =	shalt  }
0x53: {  	_ =	shalt  }
0x54: {  	_ =	shalt  }
0x55: {  	_ =	shalt  }
0x56: {  	_ =	shalt  }
0x57: {  	_ =	shalt  }
0x58: {  	_ =	shalt  }
0x59: {  	_ =	shalt  }
0x5a: {  	_ =	shalt  }
0x5b: {  	_ =	shalt  }
0x5c: {  	_ =	shalt  }
0x5d: {  	_ =	shalt  }
0x5e: {  	_ =	shalt  }
0x5f: {  	_ =	shalt  }
0x60: {  	_ =	shalt  }
0x61: {  	_ =	shalt  }
0x62: {  	_ =	shalt  }
0x63: {  	_ =	shalt  }
0x64: {  	_ =	shalt  }
0x65: {  	_ =	shalt  }
0x66: {  	_ =	shalt  }
0x67: {  	_ =	shalt  }
0x68: {  	_ =	shalt  }
0x69: {  	_ =	shalt  }
0x6a: {  	_ =	shalt  }
0x6b: {  	_ =	shalt  }
0x6c: {  	_ =	shalt  }
0x6d: {  	_ =	shalt  }
0x6e: {  	_ =	shalt  }
0x6f: {  	_ =	shalt  }
0x70: {  	_ =	shalt  }
0x71: {  	_ =	shalt  }
0x72: {  	_ =	shalt  }
0x73: {  	_ =	shalt  }
0x74: {  	_ =	shalt  }
0x75: {  	_ =	shalt  }
0x76: {  	_ =	shalt  }
0x77: {  	_ =	shalt  }
0x78: {  	_ =	shalt  }
0x79: {  	_ =	shalt  }
0x7a: {  	_ =	shalt  }
0x7b: {  	_ =	shalt  }
0x7c: {  	_ =	shalt  }
0x7d: {  	_ =	shalt  }
0x7e: {  	_ =	shalt  }
0x7f: {  	_ =	shalt  }
0x80: {  	_ =	shalt  }
0x81: {  	_ =	shalt  }
0x82: {  	_ =	shalt  }
0x83: {  	_ =	shalt  }
0x84: {  	_ =	shalt  }
0x85: {  	_ =	shalt  }
0x86: {  	_ =	shalt  }
0x87: {  	_ =	shalt  }
.Lfunc_end0:
.L_simem_size_0:
called_computation_lowered:
.L_overlay_start_0:
0x88: {  	s2 =	sld [smem:$0x3FD9]  }
0x89: {  	s3 =	sld [smem:$0x3FFE];
	_ =	sdelay $0x1  }
0x8a: {  	s1 =	srdreg.scid  }
0x8b: {  	s0 =	sand.u32 $0x1, s1  }
0x8c: {  	s17 =	sshll.u32 s0, $0xA;
	s2 =	sadd.s32 s3, s2  }
0x8d: {  	s2 =	sadd.s32 s2, s17  }
0x8e: {  	[smem:$0x3FC2] =	sst s2  }
0x8f: {  	_ = 	snop  }
0x90: {  	s2 =	sld [smem:$0x3FD0];
	(tm) =	ssettm $0x1  }
0x91: {  	s18 =	sld [smem:$0x3FFB];
	_ =	sdelay $0x3  }
0x92: {  	_ =	strace s18  }
0x93: {  	s3 =	sld [smem:$0x3FFC];
	_ =	sdelay $0x3  }
0x94: {  	_ =	strace s3  }
0x95: {  	s3 =	sld [smem:$0x3FFD];
	_ =	sdelay $0x3  }
0x96: {  	_ =	strace s3  }
0x97: {  	_ =	strace $0x8FFFFFFF  }
0x98: {  	s19 =	sld [smem:$0x3FDB];
	_ =	sdelay $0x1  }
0x99: {  	s4 =	simm.s32 $_scs_section_size  }
0x9a: {  	s5 =	simm.s32 $_size__tile_overlayer_lowered;
	s6 =	simm.s32 $_tile_overlayer_lowered  }
0x9b: {  	s22 =	simm.s32 $0x1BFF;
	s21 =	sshll.u32 s6, $0x1;
	s3 =	sadd.s32 s4, s19  }
0x9c: {  	s7 =	simm.s32 $0x0;
	s20 =	sshll.u32 s5, $0x1;
	s5 =	sadd.s32 s21, s3  }
0x9d: {  	[timem:s7], [sflag:s22] =	dma.local [hbm:s5], s20  }
0x9e: {  	_ =	swait.ge [sflag:s22], s20  }
0x9f: {  	s4 =	ssub.s32 $0x0, s20;
	[sflag:s22] =	ssyncset.done $0x0  }
0xa0: {  	[sflag:s22] =	ssyncadd.s32 s4;
	_ =	sdelay $0x1  }
0xa1: {  	s23 =	simm.s32 $0x1B8B  }
0xa2: {  	_ =	swait.ge [sflag:s23], $0x1  }
0xa3: {  	[sflag:s23] =	ssyncset.done $0x0  }
0xa4: {  	s25 =	simm.s32 $0x1B8E;
	s24 =	sld [smem:$0x3FFE];
	[sflag:s23] =	ssyncadd.s32 $0xFFFFFFFF  }
0xa5: {  	s26 =	simm.s32 $execute0_lowered;
	[smem:$0x3FD2] =	sst s25  }
0xa6: {  	s5 =	sshll.u32 s26, $0x1;
	_ =	strace $0x80000046;
	[dreg:$0x1] =	wrdreg $0xFFFFFFFF  }
0xa7: {  	s28 =	simm.s32 $_size_execute0_lowered;
	s3 =	sadd.s32 s3, s5;
	[dreg:$0x0] =	wrdreg $0x0  }
0xa8: {  	s5 =	sshll.u32 s28, $0x1;
	[dreg:$0x2] =	wrdreg s3  }
0xa9: {  	[dreg:$0x3] =	wrdreg s5  }
0xaa: {  	[dreg:$0x4] =	wrdreg $0xC0  }
0xab: {  	_ =	task [dreg:s7], $0x5FFFF  }
0xac: {  	[dreg:$0x1] =	wrdreg $0xFFFFFFFF  }
0xad: {  	[dreg:$0x0] =	wrdreg $0x60  }
0xae: {  	[dreg:$0x2] =	wrdreg s24  }
0xaf: {  	[dreg:$0x3] =	wrdreg s2  }
0xb0: {  	[dreg:$0x4] =	wrdreg $0x0  }
0xb1: {  	[dreg:$0x5] =	wrdreg $0x9  }
0xb2: {  	_ =	task.clear_ibuf [dreg:s7], $0x6FFFF;
	_ =	strace $0x90000046  }
0xb3: {  	s29 =	simm.s32 $0x9;
	_ =	strace $0x80000048  }
0xb4: {  	_ =	swait.ge [sflag:s29], $0x1  }
0xb5: {  	[sflag:s29] =	ssyncadd.s32 $0xFFFFFFFF  }
0xb6: {  	_ =	strace $0x90000048  }
0xb7: {  	_ =	sfence  }
0xb8: {  	s30 =	sld [smem:$0x0];
	_ =	sdelay $0x2  }
0xb9: {  	s31 =	sshll.u32 s1, $0xD;
	s1 =	sshrl.u32 s1, $0x2  }
0xba: {  	s3 =	sand.u32 $0x4000, s31;
	s1 =	sadd.s32 s1, s30  }
0xbb: {  	s0 =	sor.u32 s3, s0;
	s1 =	sshll.u32 s1, $0x11  }
0xbc: {  	s0 =	sor.u32 s1, s0  }
0xbd: {  	s0 =	sadd.s32 $0x8F2B, s0  }
0xbe: {  	[sflag:s0] =	ssyncadd.remote.s32 $0x1  }
0xbf: {  	_ =	sfence.sel $0xFFFF  }
0xc0: {  	[dreg:$0x0] =	wrdreg $0xFFFFFFFF;
	(pc) =	sbr.abs _section_cstart, $3  }
0xc1: {  	[dreg:$0x1] =	wrdreg $0xFFFFFFFF  }
0xc2: {  	_ =	task.clear_ibuf [dreg:s7], $0x2FFFF;
	_ =	strace $0x9FFFFFFF  }
0xc3: {  	(tm) =	ssettm $0x7FFFFFFF  }
tec
execute0_lowered:
.L_overlay_start_1:
0x0: {  	(tag) =	ssettag $0x1  }
0x1: {  	s4 =	rddreg [dreg:$0x0]  }
0x2: {  	s0 =	srdreg.scid;
	s6 =	rddreg [dreg:$0x1]  }
0x3: {  	s2 =	rddreg [dreg:$0x2];
	s1 =	stileid.u32  }
0x4: {  	s3 =	simm.s32 $0x0;
	s11 =	simm.s32 $0x80;
	s12 =	simm.s32 $0x2A80  }
0x5: {  	s15 =	simm.s32 $0x20;
	s16 =	simm.s32 $0x10;
	s17 =	simm.s32 $0x0  }
0x6: {  	s5 =	sand.u32 $0x1, s0;
	s0 =	rddreg [dreg:$0x3];
	s8 =	smul.u32 $0x500, s1  }
0x7: {  	[smem:$0x7FF] =	sst s3;
	s10 =	smul.u32 $0xA00, s1;
	s13 =	sshll.u32 s1, $0x6  }
0x8: {  	s7 =	sshll.u32 s5, $0x4;
	_ =	strace $0x80000047;
	s9 =	ssub.s32 $0x2, s5  }
0x9: {  	s5 =	sshll.u32 s5, $0x7;
	s13 =	sor.u32 $0x1C01, s13;
	s7 =	sor.u32 s1, s7  }
0xa: {  	s28 =	sshrl.u32 s9, $0x1;
	s5 =	sor.u32 s5, s8;
	s30 =	sshrl.u32 s10, $0x2  }
0xb: {  	s8 =	simm.s32 $0x2B00;
	s10 =	simm.s32 $0x280;
	s7 =	smul.u32 $0x500, s7  }
0xc: {  	s29 =	ssub.s32 s9, s28;
	s31 =	sshrl.u32 s5, $0x3;
	s9 =	simm.s32 $0x1  }
0xd: {  	s6 =	sadd.s32 s6, s31;
	s7 =	sadd.s32 s7, s4;
	s4 =	sadd.s32 s30, s2  }
0xe: {  	v0 =	vimm.f32 $1.000000000e+00;
	v1 =	vimm.f32 $0.0e+00;
	s5 =	sadd.s32 $0x2800, s7;
	s7 =	smax.u32 s29, $0x1;
	s14 =	sshrl.u32 s4, $0x3  }
.LBB2_1:
0xf: {  	[tilespmem:$0x2A80] =	vst v0  }
0x10: {  	[tilespmem:$0x2A90] =	vst v0  }
0x11: {  	[tilespmem:$0x2AA0] =	vst v0  }
0x12: {  	[tilespmem:$0x2AB0] =	vst v0  }
0x13: {  	[tilespmem:$0x2AC0] =	vst v0  }
0x14: {  	[tilespmem:$0x2AD0] =	vst v0  }
0x15: {  	[tilespmem:$0x2AE0] =	vst v0  }
0x16: {  	[tilespmem:$0x2AF0] =	vst v0  }
0x17: {  	[tilespmem:$0x2B00] =	vst v1  }
0x18: {  	[tilespmem:$0x2B10] =	vst v1  }
0x19: {  	[tilespmem:$0x2B20] =	vst v1  }
0x1a: {  	[tilespmem:$0x2B30] =	vst v1  }
0x1b: {  	[tilespmem:$0x2B40] =	vst v1  }
0x1c: {  	[tilespmem:$0x2B50] =	vst v1  }
0x1d: {  	[tilespmem:$0x2B60] =	vst v1  }
0x1e: {  	[tilespmem:$0x2B70] =	vst v1  }
0x1f: {  	[tilespmem:$0x2B80] =	vst v1  }
0x20: {  	[tilespmem:$0x2B90] =	vst v1  }
0x21: {  	[tilespmem:$0x2BA0] =	vst v1  }
0x22: {  	[tilespmem:$0x2BB0] =	vst v1  }
0x23: {  	[tilespmem:$0x2BC0] =	vst v1  }
0x24: {  	[tilespmem:$0x2BD0] =	vst v1  }
0x25: {  	[tilespmem:$0x2BE0] =	vst v1  }
0x26: {  	[tilespmem:$0x2BF0] =	vst v1  }
0x27: {  	[tilespmem:$0x2C00] =	vst v1  }
0x28: {  	[tilespmem:$0x2C10] =	vst v1  }
0x29: {  	[tilespmem:$0x2C20] =	vst v1  }
0x2a: {  	[tilespmem:$0x2C30] =	vst v1  }
0x2b: {  	[tilespmem:$0x2C40] =	vst v1  }
0x2c: {  	[tilespmem:$0x2C50] =	vst v1  }
0x2d: {  	[tilespmem:$0x2C60] =	vst v1  }
0x2e: {  	[tilespmem:$0x2C70] =	vst v1  }
0x2f: {  	[tilespmem:$0x2C80] =	vst v1  }
0x30: {  	[tilespmem:$0x2C90] =	vst v1  }
0x31: {  	[tilespmem:$0x2CA0] =	vst v1  }
0x32: {  	[tilespmem:$0x2CB0] =	vst v1  }
0x33: {  	[tilespmem:$0x2CC0] =	vst v1  }
0x34: {  	[tilespmem:$0x2CD0] =	vst v1  }
0x35: {  	[tilespmem:$0x2CE0] =	vst v1  }
0x36: {  	[tilespmem:$0x2CF0] =	vst v1  }
0x37: {  	[tilespmem:$0x2D00] =	vst v1  }
0x38: {  	[tilespmem:$0x2D10] =	vst v1  }
0x39: {  	[tilespmem:$0x2D20] =	vst v1  }
0x3a: {  	[tilespmem:$0x2D30] =	vst v1  }
0x3b: {  	[tilespmem:$0x2D40] =	vst v1  }
0x3c: {  	[tilespmem:$0x2D50] =	vst v1  }
0x3d: {  	[tilespmem:$0x2D60] =	vst v1  }
0x3e: {  	[tilespmem:$0x2D70] =	vst v1  }
0x3f: {  	[spmem:s4] =	stream.linear.scatter [tilespmem:s8], [sflag:$0x1], $0x280, $0x38;
	[tilespmem:$0x2D80] =	vst v63  }
0x40: {  	_ =	swait.ge [sflag:s9], $0x280  }
0x41: {  	[sflag:s9] =	ssyncset.done $0x0  }
0x42: {  	[sflag:s9] =	ssyncadd.s32 $0xFFFFFD80  }
0x43: {  	[bflag:$0x0] =	sbarrier.arrive $0xFFFF  }
0x44: {  	[tilespmem:s10], [sflag:$0x1] =	stream.linear.gather [hbm4b:s5+s3], $0x2800, $0x38;
	[tilespmem:$0x2D80] =	vst v63  }
0x45: {  	_ =	swait.ge [sflag:s9], $0x2800  }
0x46: {  	[sflag:s9] =	ssyncset.done $0x0  }
0x47: {  	s18 =	simm.s32 $0x280;
	[sflag:s9] =	ssyncadd.s32 $0xFFFFD800  }
0x48: {  	[spmem:s2] =	stream.indirect.scatter.add.f32 [tilespmem:s12], [sflag:$0x1], $0x1, s18, s11, $0xb8;
	[tilespmem:$0x2D80] =	vst v63  }
0x49: {  	s18 =	simm.s32 $0x200;
	_ =	swait.ge [sflag:s9], $0x80  }
.LBB2_2:
0x4a: {  	s19 =	sshra.s32 s18, $0x2;
	[sflag:s9] =	ssyncset.done $0x0;
	p0 =	sne.s32 s18, $0x9E00  }
.Ltmp0:
0x4b: {  	s19 =	sadd.s32 $0x280, s19;
	[sflag:s9] =	ssyncadd.s32 $0xFFFFFF80;
	(pc) =	sbr.rel @p0 .LBB2_2-.Ltmp0, $3  }
0x4c: {  	[spmem:s2] =	stream.indirect.scatter.add.f32 [tilespmem:s12], [sflag:$0x1], $0x1, s19, s11, $0xb8;
	[tilespmem:$0x2D80] =	vst v63  }
0x4d: {  	s18 =	sadd.s32 $0x200, s18;
	_ =	sdelay $0x1  }
0x4e: {  	_ =	swait.ge [sflag:s9], $0x80  }
0x4f: {  	[sflag:s9] =	ssyncset.done $0x0;
	s17 =	sadd.s32 $0x1, s17  }
0x50: {  	[sflag:s9] =	ssyncadd.s32 $0xFFFFFF80;
	p0 =	sne.s32 s17, s7  }
.Ltmp1:
0x51: {  	[bflag:$0x0] =	sbarrier.arrive $0xFFFF;
	(pc) =	sbr.rel @p0 .LBB2_1-.Ltmp1, $4  }
0x52: {  	[hbm:s6@s15], [sflag:s13] =	dma.strided [spmem:s14@s16], $0x50, s9, $0x10   }
0x53: {  	_ =	swait.ge [sflag:s9], $0x50  }
0x54: {  	[sflag:s9] =	ssyncset.done $0x0  }
0x55: {  	[sflag:s9] =	ssyncadd.s32 $0xFFFFFFB0  }
0x56: {  	_ =	sfence.sel $0x180000  }
0x57: {  	[bflag:$0x0] =	sbarrier.arrive $0xFFFF  }
0x58: {  	p0 =	sne.s32 s1, $0x0;
	_ =	strace $0x90000047  }
0x59: {  	s0 =	sadd.s32 @!p0 $0x100000, s0;
	[bflag:$0x2] =	sbarrier.arrive $0xFFFF  }
0x5a: {  	[sflag:s0] =	ssyncadd.tile.s32 @!p0 $0x1;
	_ =	shalt  }
.Lfunc_end2:
_tile_overlayer_lowered:
.L_overlay_start_2:
0x5b: {  	(tag) =	ssettag $0x2  }
0x5c: {  	s0 =	rddreg [dreg:$0x0];
	s2 =	stileid.u32  }
0x5d: {  	s1 =	rddreg [dreg:$0x1];
	p0 =	sne.s32 s2, $0x0  }
0x5e: {  	s3 =	rddreg [dreg:$0x2];
	[bflag:$0x3] =	sbarrier.arrive $0xFFFF;
	s2 =	simm.s32 @!p0 $0x1C01  }
0x5f: {  	[timem:s3], [sflag:s2] =	dma.local @!p0 [hbm:s0], s1  }
0x60: {  	s0 =	simm.s32 @!p0 $0x1  }
0x61: {  	_ =	swait.ge @!p0 [sflag:s0], s1  }
0x62: {  	s1 =	ssub.s32 @!p0 $0x0, s1;
	[sflag:s0] =	ssyncset.done @!p0 $0x0  }
0x63: {  	[sflag:s0] =	ssyncadd.s32 @!p0 s1  }
0x64: {  	[bflag:$0x3] =	sbarrier.arrive $0xFFFF  }
0x65: {  	_ =	shalt  }

</sc_bundles>
